<compile_context>
chip_gen: v7x
topology: tpu7x:2x2x1
jax: 0.10.2.dev20260603
libtpu: 0.0.44.dev20260713+nightly
codegen_flags: <defaults>
</compile_context>

<pallas_src>
import functools

import jax
import jax.numpy as jnp
from jax import lax
from jax.experimental import pallas as pl
from jax.experimental.pallas import tpu as pltpu
from jax.experimental.pallas import tpu_sc as plsc

_NC = 2
_NS = 16
_NW = _NC * _NS

_YT = 128


def _prep_body(C, oW, upd_ref, mask_ref, updt_ref, idx_ref):
    u = upd_ref[0]
    m = mask_ref[0]
    r = m // C
    updt_ref[0] = u.T
    idx_ref[0] = r.T


def _sc_scatter_body(C, P, oW, NPASS, TASKS,
                     idx_hbm, upd_hbm, out_hbm,
                     idx_v, val_v, acc_v, sem_in, sem_wb):
    wid = lax.axis_index("s") * _NC + lax.axis_index("c")
    zero16 = jnp.zeros((16,), jnp.float32)

    ACC = _YT * oW

    def task_body(t, carry):
        tid = wid * TASKS + t
        b = tid // C
        c = tid % C
        in_i = pltpu.async_copy(idx_hbm.at[b, c], idx_v, sem_in)
        in_v = pltpu.async_copy(upd_hbm.at[b, c], val_v, sem_in)
        for p in range(NPASS):
            base = p * ACC
            y0 = p * _YT

            def zbody(i, z):
                acc_v[pl.ds(i * 16, 16)] = zero16
                return z

            lax.fori_loop(0, ACC // 16, zbody, 0, unroll=8)
            if p == 0:
                in_i.wait()
                in_v.wait()

            def sbody(i, z):
                i0 = i * 64
                rs = [idx_v[pl.ds(i0 + u * 16, 16)] for u in range(4)]
                vs = [val_v[pl.ds(i0 + u * 16, 16)] for u in range(4)]
                for u in range(4):
                    off = rs[u] - base
                    ok = (off >= 0) & (off < ACC)
                    plsc.addupdate_scatter(acc_v, [off], vs[u], mask=ok)
                return z

            lax.fori_loop(0, P // 64, sbody, 0, unroll=2)

            def wrow(rr, z):
                pltpu.async_copy(acc_v.at[pl.ds(rr * oW, oW)],
                                 out_hbm.at[b, y0 + rr, c], sem_wb)
                return z

            lax.fori_loop(0, _YT, wrow, 0)

            def wdrain(rr, z):
                pltpu.make_async_copy(acc_v.at[pl.ds(0, oW)],
                                      out_hbm.at[b, y0, c], sem_wb).wait()
                return z

            lax.fori_loop(0, _YT, wdrain, 0)
        return carry

    lax.fori_loop(0, TASKS, task_body, 0)


def kernel(updates, mask):
    B, H, W, C = updates.shape
    size = (2, 2)
    oH, oW = H * size[0], W * size[1]
    P = H * W

    mask = mask.astype(jnp.int32)
    upd2 = updates.reshape(B, P, C)
    mask2 = mask.reshape(B, P, C)

    PT = 2304
    assert P % PT == 0
    n_pt = P // PT
    updt, idx = pl.pallas_call(
        functools.partial(_prep_body, C, oW),
        grid=(B, n_pt),
        in_specs=[
            pl.BlockSpec((1, PT, C), lambda b, i: (b, i, 0)),
            pl.BlockSpec((1, PT, C), lambda b, i: (b, i, 0)),
        ],
        out_specs=[
            pl.BlockSpec((1, C, PT), lambda b, i: (b, 0, i)),
            pl.BlockSpec((1, C, PT), lambda b, i: (b, 0, i)),
        ],
        out_shape=[
            jax.ShapeDtypeStruct((B, C, P), jnp.float32),
            jax.ShapeDtypeStruct((B, C, P), jnp.int32),
        ],
    )(upd2, mask2)

    NPASS = oH // _YT
    assert oH % _YT == 0 and P % 64 == 0 and oW % 16 == 0
    assert (B * C) % _NW == 0
    TASKS = (B * C) // _NW

    mesh = plsc.VectorSubcoreMesh(core_axis_name="c", subcore_axis_name="s")
    sc_call = pl.kernel(
        functools.partial(_sc_scatter_body, C, P, oW, NPASS, TASKS),
        out_type=jax.ShapeDtypeStruct((B, oH, C, oW), jnp.float32),
        mesh=mesh,
        scratch_types=[
            pltpu.VMEM((P,), jnp.int32),
            pltpu.VMEM((P,), jnp.float32),
            pltpu.VMEM((_YT * oW,), jnp.float32),
            pltpu.SemaphoreType.DMA,
            pltpu.SemaphoreType.DMA,
        ],
        compiler_params=pltpu.CompilerParams(needs_layout_passes=False),
    )
    out_ycx = sc_call(idx, updt)

    return jnp.swapaxes(out_ycx, 2, 3)

# --- scband reference (transcript-rebuilt; emitter-appended) ---
"""Pipeline reference for scband-max-unpooling2-d-38568806318557 (READ-ONLY COPY).

The authoritative reference and input builder live on the scoring server;
editing this copy changes nothing except your own understanding.
"""

import jax, jax.numpy as jnp
import numpy as np


def setup_inputs(seed: int = 0) -> dict:
    key = jax.random.key(seed)
    k1, k2 = jax.random.split(key)
    B, H, W, C = 4, 192, 192, 96
    size = (2, 2)
    oH, oW = H * size[0], W * size[1]
    updates = jax.random.normal(k1, (B, H, W, C), dtype=jnp.float32)
    # mask holds flattened argmax indices into the per-batch output volume [oH, oW, C]
    mask = jax.random.randint(k2, (B, H, W, C), 0, oH * oW * C, dtype=jnp.int64)
    return {"updates": updates, "mask": mask}


def reference(updates, mask):
    size = (2, 2)
    mask = mask.astype(jnp.int32)
    B, H, W, C = updates.shape
    oH, oW = H * size[0], W * size[1]
    one_like_mask = jnp.ones_like(mask, dtype=jnp.int32)
    batch_range = jnp.arange(B, dtype=jnp.int32).reshape(B, 1, 1, 1)
    b = one_like_mask * batch_range
    y = mask // (oW * C)
    x = (mask // C) % oW
    feature_range = jnp.arange(C, dtype=jnp.int32)
    f = one_like_mask * feature_range
    values = updates.reshape(-1)
    out = jnp.zeros((B, oH, oW, C), dtype=updates.dtype)
    # tf.scatter_nd accumulates duplicate indices -> use .at[...].add
    out = out.at[b.reshape(-1), y.reshape(-1), x.reshape(-1), f.reshape(-1)].add(values)
    return out

if __name__ == "__main__":
    import jax
    _d = setup_inputs()
    print(jax.jit(kernel)(*tuple(_d.values())))

</pallas_src>

<mosaic_0001>
#map = affine_map<(d0, d1) -> (0, 0, 0)>
#map1 = affine_map<(d0, d1) -> (0, 0, 0, 0)>
module attributes {stable_mosaic.version = 14 : i64} {
  func.func @_sc_scatter_body(%arg0: i32, %arg1: i32, %arg2: memref<4x96x36864xi32, #tpu.memory_space<hbm>>, %arg3: memref<4x96x36864xf32, #tpu.memory_space<hbm>>, %arg4: memref<4x384x96x384xf32, #tpu.memory_space<hbm>>, %arg5: memref<36864xi32, #tpu.memory_space<vmem>>, %arg6: memref<36864xf32, #tpu.memory_space<vmem>>, %arg7: memref<49152xf32, #tpu.memory_space<vmem>>, %arg8: memref<!tpu.dma_semaphore, #tpu.memory_space<semaphore_mem>>, %arg9: memref<!tpu.dma_semaphore, #tpu.memory_space<semaphore_mem>>) attributes {dimension_semantics = [#tpu.dimension_semantics<core_parallel>, #tpu.dimension_semantics<subcore_parallel>], iteration_bounds = array<i64: 2, 16>, scalar_prefetch = 0 : i64, scratch_operands = 5 : i64, tpu.core_type = #tpu.core_type<sc_vector_subcore>, window_params = [{transform_indices = #map}, {transform_indices = #map}, {transform_indices = #map1}]} {
    %mul3A = arith.constant 2 : i32
    %mul3A_0 = arith.muli %arg1, %mul3A : i32
    %add3A = arith.addi %mul3A_0, %arg0 : i32
    %broadcast_in_dim3A = arith.constant 0.000000e+00 : f32
    %broadcast_in_dim3A_1 = vector.broadcast %broadcast_in_dim3A : f32 to vector<16xf32>
    %scan3A = arith.constant 0 : i32
    %scan3A_2 = arith.constant 0 : i32
    %scan3A_3 = arith.constant 12 : i32
    %scan3A_4 = arith.addi %scan3A_2, %scan3A_3 : i32
    %scan3A_5 = arith.constant 1 : i32
    scf.for %scan3A_7 = %scan3A_2 to %scan3A_4 step %scan3A_5  : i32 {
      %mul3A_8 = arith.constant 12 : i32
      %mul3A_9 = arith.muli %add3A, %mul3A_8 : i32
      %add3A_10 = arith.addi %mul3A_9, %scan3A_7 : i32
      %jit3A = arith.constant 96 : i32
      %div3A = arith.divsi %add3A_10, %jit3A : i32
      %sign3A = arith.constant 0 : i32
      %sign3A_11 = arith.cmpi sgt, %add3A_10, %sign3A : i32
      %sign3A_12 = arith.extui %sign3A_11 : i1 to i32
      %sign3A_13 = arith.constant 0 : i32
      %sign3A_14 = arith.cmpi slt, %add3A_10, %sign3A_13 : i32
      %sign3A_15 = arith.extui %sign3A_14 : i1 to i32
      %sign3A_16 = arith.subi %sign3A_12, %sign3A_15 : i32
      %sign3A_17 = arith.constant 0 : i32
      %sign3A_18 = arith.cmpi sgt, %jit3A, %sign3A_17 : i32
      %sign3A_19 = arith.extui %sign3A_18 : i1 to i32
      %sign3A_20 = arith.constant 0 : i32
      %sign3A_21 = arith.cmpi slt, %jit3A, %sign3A_20 : i32
      %sign3A_22 = arith.extui %sign3A_21 : i1 to i32
      %sign3A_23 = arith.subi %sign3A_19, %sign3A_22 : i32
      %ne3A = arith.cmpi ne, %sign3A_16, %sign3A_23 : i32
      %rem3A = arith.remsi %add3A_10, %jit3A : i32
      %ne3A_24 = arith.constant 0 : i32
      %ne3A_25 = arith.cmpi ne, %rem3A, %ne3A_24 : i32
      %and3A = arith.andi %ne3A, %ne3A_25 : i1
      %sub3A = arith.constant 1 : i32
      %sub3A_26 = arith.subi %div3A, %sub3A : i32
      %select_n3A = arith.select %and3A, %sub3A_26, %div3A : i32
      %jit3A_27 = arith.constant 96 : i32
      %eq3A = arith.constant 0 : i32
      %eq3A_28 = arith.cmpi eq, %jit3A_27, %eq3A : i32
      %jit3A_29 = arith.constant 1 : i32
      %select_n3A_30 = arith.select %eq3A_28, %jit3A_29, %jit3A_27 : i32
      %rem3A_31 = arith.remsi %add3A_10, %select_n3A_30 : i32
      %ne3A_32 = arith.constant 0 : i32
      %ne3A_33 = arith.cmpi ne, %rem3A_31, %ne3A_32 : i32
      %lt3A = arith.constant 0 : i32
      %lt3A_34 = arith.cmpi slt, %rem3A_31, %lt3A : i32
      %lt3A_35 = arith.constant 0 : i32
      %lt3A_36 = arith.cmpi slt, %select_n3A_30, %lt3A_35 : i32
      %ne3A_37 = arith.xori %lt3A_34, %lt3A_36 : i1
      %and3A_38 = arith.andi %ne3A_37, %ne3A_33 : i1
      %add3A_39 = arith.addi %rem3A_31, %select_n3A_30 : i32
      %select_n3A_40 = arith.select %and3A_38, %add3A_39, %rem3A_31 : i32
      %dma_start3A = arith.constant 0 : i32
      %dma_start3A_41 = tpu.memref_slice %arg2[%select_n3A, %select_n3A_40, %dma_start3A] : memref<4x96x36864xi32, #tpu.memory_space<hbm>> -> memref<1x1x36864xi32, #tpu.memory_space<hbm>>
      %dma_start3A_42 = tpu.memref_squeeze %dma_start3A_41 : memref<1x1x36864xi32, #tpu.memory_space<hbm>> -> memref<36864xi32, #tpu.memory_space<hbm>>
      %dma_start3A_43 = arith.constant 0 : i32
      %dma_start3A_44 = tpu.memref_slice %arg2[%select_n3A, %select_n3A_40, %dma_start3A_43] : memref<4x96x36864xi32, #tpu.memory_space<hbm>> -> memref<1x1x36864xi32, #tpu.memory_space<hbm>>
      %dma_start3A_45 = tpu.memref_squeeze %dma_start3A_44 : memref<1x1x36864xi32, #tpu.memory_space<hbm>> -> memref<36864xi32, #tpu.memory_space<hbm>>
      tpu.enqueue_dma source(%dma_start3A_45 : memref<36864xi32, #tpu.memory_space<hbm>>) target(%arg5 : memref<36864xi32, #tpu.memory_space<vmem>>) target_semaphore(%arg8 : memref<!tpu.dma_semaphore, #tpu.memory_space<semaphore_mem>>)
      %dma_start3A_46 = arith.constant 0 : i32
      %dma_start3A_47 = tpu.memref_slice %arg3[%select_n3A, %select_n3A_40, %dma_start3A_46] : memref<4x96x36864xf32, #tpu.memory_space<hbm>> -> memref<1x1x36864xf32, #tpu.memory_space<hbm>>
      %dma_start3A_48 = tpu.memref_squeeze %dma_start3A_47 : memref<1x1x36864xf32, #tpu.memory_space<hbm>> -> memref<36864xf32, #tpu.memory_space<hbm>>
      %dma_start3A_49 = arith.constant 0 : i32
      %dma_start3A_50 = tpu.memref_slice %arg3[%select_n3A, %select_n3A_40, %dma_start3A_49] : memref<4x96x36864xf32, #tpu.memory_space<hbm>> -> memref<1x1x36864xf32, #tpu.memory_space<hbm>>
      %dma_start3A_51 = tpu.memref_squeeze %dma_start3A_50 : memref<1x1x36864xf32, #tpu.memory_space<hbm>> -> memref<36864xf32, #tpu.memory_space<hbm>>
      tpu.enqueue_dma source(%dma_start3A_51 : memref<36864xf32, #tpu.memory_space<hbm>>) target(%arg6 : memref<36864xf32, #tpu.memory_space<vmem>>) target_semaphore(%arg8 : memref<!tpu.dma_semaphore, #tpu.memory_space<semaphore_mem>>)
      %scan3A_52 = arith.constant 0 : i32
      %scan3A_53 = arith.constant 0 : i32
      %scan3A_54 = arith.constant 3072 : i32
      %scan3A_55 = arith.addi %scan3A_53, %scan3A_54 : i32
      %scan3A_56 = arith.constant 8 : i32
      scf.for %scan3A_135 = %scan3A_53 to %scan3A_55 step %scan3A_56  : i32 {
        %mul3A_136 = arith.constant 16 : i32
        %mul3A_137 = arith.muli %scan3A_135, %mul3A_136 : i32
        %swap3A = arith.index_cast %mul3A_137 : i32 to index
        %swap3A_138 = tpu.vector_load %arg7[%swap3A] {strides = array<i32>} : memref<49152xf32, #tpu.memory_space<vmem>>, vector<16xf32>,
        tpu.vector_store %arg7[%swap3A], %broadcast_in_dim3A_1 {strides = array<i32>} : memref<49152xf32, #tpu.memory_space<vmem>>, vector<16xf32>,
        %scan3A_139 = arith.constant 1 : i32
        %scan3A_140 = arith.addi %scan3A_135, %scan3A_139 : i32
        %mul3A_141 = arith.constant 16 : i32
        %mul3A_142 = arith.muli %scan3A_140, %mul3A_141 : i32
        %swap3A_143 = arith.index_cast %mul3A_142 : i32 to index
        %swap3A_144 = tpu.vector_load %arg7[%swap3A_143] {strides = array<i32>} : memref<49152xf32, #tpu.memory_space<vmem>>, vector<16xf32>,
        tpu.vector_store %arg7[%swap3A_143], %broadcast_in_dim3A_1 {strides = array<i32>} : memref<49152xf32, #tpu.memory_space<vmem>>, vector<16xf32>,
        %scan3A_145 = arith.constant 2 : i32
        %scan3A_146 = arith.addi %scan3A_135, %scan3A_145 : i32
        %mul3A_147 = arith.constant 16 : i32
        %mul3A_148 = arith.muli %scan3A_146, %mul3A_147 : i32
        %swap3A_149 = arith.index_cast %mul3A_148 : i32 to index
        %swap3A_150 = tpu.vector_load %arg7[%swap3A_149] {strides = array<i32>} : memref<49152xf32, #tpu.memory_space<vmem>>, vector<16xf32>,
        tpu.vector_store %arg7[%swap3A_149], %broadcast_in_dim3A_1 {strides = array<i32>} : memref<49152xf32, #tpu.memory_space<vmem>>, vector<16xf32>,
        %scan3A_151 = arith.constant 3 : i32
        %scan3A_152 = arith.addi %scan3A_135, %scan3A_151 : i32
        %mul3A_153 = arith.constant 16 : i32
        %mul3A_154 = arith.muli %scan3A_152, %mul3A_153 : i32
        %swap3A_155 = arith.index_cast %mul3A_154 : i32 to index
        %swap3A_156 = tpu.vector_load %arg7[%swap3A_155] {strides = array<i32>} : memref<49152xf32, #tpu.memory_space<vmem>>, vector<16xf32>,
        tpu.vector_store %arg7[%swap3A_155], %broadcast_in_dim3A_1 {strides = array<i32>} : memref<49152xf32, #tpu.memory_space<vmem>>, vector<16xf32>,
        %scan3A_157 = arith.constant 4 : i32
        %scan3A_158 = arith.addi %scan3A_135, %scan3A_157 : i32
        %mul3A_159 = arith.constant 16 : i32
        %mul3A_160 = arith.muli %scan3A_158, %mul3A_159 : i32
        %swap3A_161 = arith.index_cast %mul3A_160 : i32 to index
        %swap3A_162 = tpu.vector_load %arg7[%swap3A_161] {strides = array<i32>} : memref<49152xf32, #tpu.memory_space<vmem>>, vector<16xf32>,
        tpu.vector_store %arg7[%swap3A_161], %broadcast_in_dim3A_1 {strides = array<i32>} : memref<49152xf32, #tpu.memory_space<vmem>>, vector<16xf32>,
        %scan3A_163 = arith.constant 5 : i32
        %scan3A_164 = arith.addi %scan3A_135, %scan3A_163 : i32
        %mul3A_165 = arith.constant 16 : i32
        %mul3A_166 = arith.muli %scan3A_164, %mul3A_165 : i32
        %swap3A_167 = arith.index_cast %mul3A_166 : i32 to index
        %swap3A_168 = tpu.vector_load %arg7[%swap3A_167] {strides = array<i32>} : memref<49152xf32, #tpu.memory_space<vmem>>, vector<16xf32>,
        tpu.vector_store %arg7[%swap3A_167], %broadcast_in_dim3A_1 {strides = array<i32>} : memref<49152xf32, #tpu.memory_space<vmem>>, vector<16xf32>,
        %scan3A_169 = arith.constant 6 : i32
        %scan3A_170 = arith.addi %scan3A_135, %scan3A_169 : i32
        %mul3A_171 = arith.constant 16 : i32
        %mul3A_172 = arith.muli %scan3A_170, %mul3A_171 : i32
        %swap3A_173 = arith.index_cast %mul3A_172 : i32 to index
        %swap3A_174 = tpu.vector_load %arg7[%swap3A_173] {strides = array<i32>} : memref<49152xf32, #tpu.memory_space<vmem>>, vector<16xf32>,
        tpu.vector_store %arg7[%swap3A_173], %broadcast_in_dim3A_1 {strides = array<i32>} : memref<49152xf32, #tpu.memory_space<vmem>>, vector<16xf32>,
        %scan3A_175 = arith.constant 7 : i32
        %scan3A_176 = arith.addi %scan3A_135, %scan3A_175 : i32
        %mul3A_177 = arith.constant 16 : i32
        %mul3A_178 = arith.muli %scan3A_176, %mul3A_177 : i32
        %swap3A_179 = arith.index_cast %mul3A_178 : i32 to index
        %swap3A_180 = tpu.vector_load %arg7[%swap3A_179] {strides = array<i32>} : memref<49152xf32, #tpu.memory_space<vmem>>, vector<16xf32>,
        tpu.vector_store %arg7[%swap3A_179], %broadcast_in_dim3A_1 {strides = array<i32>} : memref<49152xf32, #tpu.memory_space<vmem>>, vector<16xf32>,
      }
      %scan3A_57 = arith.constant 3072 : i32
      %dma_wait3A = arith.constant 0 : i32
      %dma_wait3A_58 = tpu.memref_slice %arg2[%select_n3A, %select_n3A_40, %dma_wait3A] : memref<4x96x36864xi32, #tpu.memory_space<hbm>> -> memref<1x1x36864xi32, #tpu.memory_space<hbm>>
      %dma_wait3A_59 = tpu.memref_squeeze %dma_wait3A_58 : memref<1x1x36864xi32, #tpu.memory_space<hbm>> -> memref<36864xi32, #tpu.memory_space<hbm>>
      %dma_wait3A_60 = arith.constant 0 : i32
      %dma_wait3A_61 = tpu.memref_slice %arg2[%select_n3A, %select_n3A_40, %dma_wait3A_60] : memref<4x96x36864xi32, #tpu.memory_space<hbm>> -> memref<1x1x36864xi32, #tpu.memory_space<hbm>>
      %dma_wait3A_62 = tpu.memref_squeeze %dma_wait3A_61 : memref<1x1x36864xi32, #tpu.memory_space<hbm>> -> memref<36864xi32, #tpu.memory_space<hbm>>
      tpu.wait_dma2 semaphore(%arg8 : memref<!tpu.dma_semaphore, #tpu.memory_space<semaphore_mem>>) src(%dma_wait3A_62 : memref<36864xi32, #tpu.memory_space<hbm>>) dst(%arg5 : memref<36864xi32, #tpu.memory_space<vmem>>)
      %dma_wait3A_63 = arith.constant 0 : i32
      %dma_wait3A_64 = tpu.memref_slice %arg3[%select_n3A, %select_n3A_40, %dma_wait3A_63] : memref<4x96x36864xf32, #tpu.memory_space<hbm>> -> memref<1x1x36864xf32, #tpu.memory_space<hbm>>
      %dma_wait3A_65 = tpu.memref_squeeze %dma_wait3A_64 : memref<1x1x36864xf32, #tpu.memory_space<hbm>> -> memref<36864xf32, #tpu.memory_space<hbm>>
      %dma_wait3A_66 = arith.constant 0 : i32
      %dma_wait3A_67 = tpu.memref_slice %arg3[%select_n3A, %select_n3A_40, %dma_wait3A_66] : memref<4x96x36864xf32, #tpu.memory_space<hbm>> -> memref<1x1x36864xf32, #tpu.memory_space<hbm>>
      %dma_wait3A_68 = tpu.memref_squeeze %dma_wait3A_67 : memref<1x1x36864xf32, #tpu.memory_space<hbm>> -> memref<36864xf32, #tpu.memory_space<hbm>>
      tpu.wait_dma2 semaphore(%arg8 : memref<!tpu.dma_semaphore, #tpu.memory_space<semaphore_mem>>) src(%dma_wait3A_68 : memref<36864xf32, #tpu.memory_space<hbm>>) dst(%arg6 : memref<36864xf32, #tpu.memory_space<vmem>>)
      %scan3A_69 = arith.constant 0 : i32
      %scan3A_70 = arith.constant 0 : i32
      %scan3A_71 = arith.constant 576 : i32
      %scan3A_72 = arith.addi %scan3A_70, %scan3A_71 : i32
      %scan3A_73 = arith.constant 2 : i32
      scf.for %scan3A_135 = %scan3A_70 to %scan3A_72 step %scan3A_73  : i32 {
        %mul3A_136 = arith.constant 64 : i32
        %mul3A_137 = arith.muli %scan3A_135, %mul3A_136 : i32
        %add3A_138 = arith.constant 0 : i32
        %add3A_139 = arith.addi %mul3A_137, %add3A_138 : i32
        %get3A = arith.index_cast %add3A_139 : i32 to index
        %get3A_140 = tpu.vector_load %arg5[%get3A] {strides = array<i32>} : memref<36864xi32, #tpu.memory_space<vmem>>, vector<16xi32>,
        %add3A_141 = arith.constant 16 : i32
        %add3A_142 = arith.addi %mul3A_137, %add3A_141 : i32
        %get3A_143 = arith.index_cast %add3A_142 : i32 to index
        %get3A_144 = tpu.vector_load %arg5[%get3A_143] {strides = array<i32>} : memref<36864xi32, #tpu.memory_space<vmem>>, vector<16xi32>,
        %add3A_145 = arith.constant 32 : i32
        %add3A_146 = arith.addi %mul3A_137, %add3A_145 : i32
        %get3A_147 = arith.index_cast %add3A_146 : i32 to index
        %get3A_148 = tpu.vector_load %arg5[%get3A_147] {strides = array<i32>} : memref<36864xi32, #tpu.memory_space<vmem>>, vector<16xi32>,
        %add3A_149 = arith.constant 48 : i32
        %add3A_150 = arith.addi %mul3A_137, %add3A_149 : i32
        %get3A_151 = arith.index_cast %add3A_150 : i32 to index
        %get3A_152 = tpu.vector_load %arg5[%get3A_151] {strides = array<i32>} : memref<36864xi32, #tpu.memory_space<vmem>>, vector<16xi32>,
        %add3A_153 = arith.constant 0 : i32
        %add3A_154 = arith.addi %mul3A_137, %add3A_153 : i32
        %get3A_155 = arith.index_cast %add3A_154 : i32 to index
        %get3A_156 = tpu.vector_load %arg6[%get3A_155] {strides = array<i32>} : memref<36864xf32, #tpu.memory_space<vmem>>, vector<16xf32>,
        %add3A_157 = arith.constant 16 : i32
        %add3A_158 = arith.addi %mul3A_137, %add3A_157 : i32
        %get3A_159 = arith.index_cast %add3A_158 : i32 to index
        %get3A_160 = tpu.vector_load %arg6[%get3A_159] {strides = array<i32>} : memref<36864xf32, #tpu.memory_space<vmem>>, vector<16xf32>,
        %add3A_161 = arith.constant 32 : i32
        %add3A_162 = arith.addi %mul3A_137, %add3A_161 : i32
        %get3A_163 = arith.index_cast %add3A_162 : i32 to index
        %get3A_164 = tpu.vector_load %arg6[%get3A_163] {strides = array<i32>} : memref<36864xf32, #tpu.memory_space<vmem>>, vector<16xf32>,
        %add3A_165 = arith.constant 48 : i32
        %add3A_166 = arith.addi %mul3A_137, %add3A_165 : i32
        %get3A_167 = arith.index_cast %add3A_166 : i32 to index
        %get3A_168 = tpu.vector_load %arg6[%get3A_167] {strides = array<i32>} : memref<36864xf32, #tpu.memory_space<vmem>>, vector<16xf32>,
        %sub3A_169 = arith.constant 0 : i32
        %sub3A_170 = vector.broadcast %sub3A_169 : i32 to vector<16xi32>
        %sub3A_171 = arith.subi %get3A_140, %sub3A_170 : vector<16xi32>
        %ge3A = arith.constant 0 : i32
        %ge3A_172 = vector.broadcast %ge3A : i32 to vector<16xi32>
        %ge3A_173 = arith.cmpi sge, %sub3A_171, %ge3A_172 : vector<16xi32>
        %lt3A_174 = arith.constant 49152 : i32
        %lt3A_175 = vector.broadcast %lt3A_174 : i32 to vector<16xi32>
        %lt3A_176 = arith.cmpi slt, %sub3A_171, %lt3A_175 : vector<16xi32>
        %and3A_177 = arith.andi %ge3A_173, %lt3A_176 : vector<16xi1>
        tpu.vector_store_idx %arg7[%sub3A_171], %get3A_156 masked %and3A_177 {add = true} : memref<49152xf32, #tpu.memory_space<vmem>>[vector<16xi32>], vector<16xf32>, vector<16xi1>
        %sub3A_178 = arith.constant 0 : i32
        %sub3A_179 = vector.broadcast %sub3A_178 : i32 to vector<16xi32>
        %sub3A_180 = arith.subi %get3A_144, %sub3A_179 : vector<16xi32>
        %ge3A_181 = arith.constant 0 : i32
        %ge3A_182 = vector.broadcast %ge3A_181 : i32 to vector<16xi32>
        %ge3A_183 = arith.cmpi sge, %sub3A_180, %ge3A_182 : vector<16xi32>
        %lt3A_184 = arith.constant 49152 : i32
        %lt3A_185 = vector.broadcast %lt3A_184 : i32 to vector<16xi32>
        %lt3A_186 = arith.cmpi slt, %sub3A_180, %lt3A_185 : vector<16xi32>
        %and3A_187 = arith.andi %ge3A_183, %lt3A_186 : vector<16xi1>
        tpu.vector_store_idx %arg7[%sub3A_180], %get3A_160 masked %and3A_187 {add = true} : memref<49152xf32, #tpu.memory_space<vmem>>[vector<16xi32>], vector<16xf32>, vector<16xi1>
        %sub3A_188 = arith.constant 0 : i32
        %sub3A_189 = vector.broadcast %sub3A_188 : i32 to vector<16xi32>
        %sub3A_190 = arith.subi %get3A_148, %sub3A_189 : vector<16xi32>
        %ge3A_191 = arith.constant 0 : i32
        %ge3A_192 = vector.broadcast %ge3A_191 : i32 to vector<16xi32>
        %ge3A_193 = arith.cmpi sge, %sub3A_190, %ge3A_192 : vector<16xi32>
        %lt3A_194 = arith.constant 49152 : i32
        %lt3A_195 = vector.broadcast %lt3A_194 : i32 to vector<16xi32>
        %lt3A_196 = arith.cmpi slt, %sub3A_190, %lt3A_195 : vector<16xi32>
        %and3A_197 = arith.andi %ge3A_193, %lt3A_196 : vector<16xi1>
        tpu.vector_store_idx %arg7[%sub3A_190], %get3A_164 masked %and3A_197 {add = true} : memref<49152xf32, #tpu.memory_space<vmem>>[vector<16xi32>], vector<16xf32>, vector<16xi1>
        %sub3A_198 = arith.constant 0 : i32
        %sub3A_199 = vector.broadcast %sub3A_198 : i32 to vector<16xi32>
        %sub3A_200 = arith.subi %get3A_152, %sub3A_199 : vector<16xi32>
        %ge3A_201 = arith.constant 0 : i32
        %ge3A_202 = vector.broadcast %ge3A_201 : i32 to vector<16xi32>
        %ge3A_203 = arith.cmpi sge, %sub3A_200, %ge3A_202 : vector<16xi32>
        %lt3A_204 = arith.constant 49152 : i32
        %lt3A_205 = vector.broadcast %lt3A_204 : i32 to vector<16xi32>
        %lt3A_206 = arith.cmpi slt, %sub3A_200, %lt3A_205 : vector<16xi32>
        %and3A_207 = arith.andi %ge3A_203, %lt3A_206 : vector<16xi1>
        tpu.vector_store_idx %arg7[%sub3A_200], %get3A_168 masked %and3A_207 {add = true} : memref<49152xf32, #tpu.memory_space<vmem>>[vector<16xi32>], vector<16xf32>, vector<16xi1>
        %scan3A_208 = arith.constant 1 : i32
        %scan3A_209 = arith.addi %scan3A_135, %scan3A_208 : i32
        %mul3A_210 = arith.constant 64 : i32
        %mul3A_211 = arith.muli %scan3A_209, %mul3A_210 : i32
        %add3A_212 = arith.constant 0 : i32
        %add3A_213 = arith.addi %mul3A_211, %add3A_212 : i32
        %get3A_214 = arith.index_cast %add3A_213 : i32 to index
        %get3A_215 = tpu.vector_load %arg5[%get3A_214] {strides = array<i32>} : memref<36864xi32, #tpu.memory_space<vmem>>, vector<16xi32>,
        %add3A_216 = arith.constant 16 : i32
        %add3A_217 = arith.addi %mul3A_211, %add3A_216 : i32
        %get3A_218 = arith.index_cast %add3A_217 : i32 to index
        %get3A_219 = tpu.vector_load %arg5[%get3A_218] {strides = array<i32>} : memref<36864xi32, #tpu.memory_space<vmem>>, vector<16xi32>,
        %add3A_220 = arith.constant 32 : i32
        %add3A_221 = arith.addi %mul3A_211, %add3A_220 : i32
        %get3A_222 = arith.index_cast %add3A_221 : i32 to index
        %get3A_223 = tpu.vector_load %arg5[%get3A_222] {strides = array<i32>} : memref<36864xi32, #tpu.memory_space<vmem>>, vector<16xi32>,
        %add3A_224 = arith.constant 48 : i32
        %add3A_225 = arith.addi %mul3A_211, %add3A_224 : i32
        %get3A_226 = arith.index_cast %add3A_225 : i32 to index
        %get3A_227 = tpu.vector_load %arg5[%get3A_226] {strides = array<i32>} : memref<36864xi32, #tpu.memory_space<vmem>>, vector<16xi32>,
        %add3A_228 = arith.constant 0 : i32
        %add3A_229 = arith.addi %mul3A_211, %add3A_228 : i32
        %get3A_230 = arith.index_cast %add3A_229 : i32 to index
        %get3A_231 = tpu.vector_load %arg6[%get3A_230] {strides = array<i32>} : memref<36864xf32, #tpu.memory_space<vmem>>, vector<16xf32>,
        %add3A_232 = arith.constant 16 : i32
        %add3A_233 = arith.addi %mul3A_211, %add3A_232 : i32
        %get3A_234 = arith.index_cast %add3A_233 : i32 to index
        %get3A_235 = tpu.vector_load %arg6[%get3A_234] {strides = array<i32>} : memref<36864xf32, #tpu.memory_space<vmem>>, vector<16xf32>,
        %add3A_236 = arith.constant 32 : i32
        %add3A_237 = arith.addi %mul3A_211, %add3A_236 : i32
        %get3A_238 = arith.index_cast %add3A_237 : i32 to index
        %get3A_239 = tpu.vector_load %arg6[%get3A_238] {strides = array<i32>} : memref<36864xf32, #tpu.memory_space<vmem>>, vector<16xf32>,
        %add3A_240 = arith.constant 48 : i32
        %add3A_241 = arith.addi %mul3A_211, %add3A_240 : i32
        %get3A_242 = arith.index_cast %add3A_241 : i32 to index
        %get3A_243 = tpu.vector_load %arg6[%get3A_242] {strides = array<i32>} : memref<36864xf32, #tpu.memory_space<vmem>>, vector<16xf32>,
        %sub3A_244 = arith.constant 0 : i32
        %sub3A_245 = vector.broadcast %sub3A_244 : i32 to vector<16xi32>
        %sub3A_246 = arith.subi %get3A_215, %sub3A_245 : vector<16xi32>
        %ge3A_247 = arith.constant 0 : i32
        %ge3A_248 = vector.broadcast %ge3A_247 : i32 to vector<16xi32>
        %ge3A_249 = arith.cmpi sge, %sub3A_246, %ge3A_248 : vector<16xi32>
        %lt3A_250 = arith.constant 49152 : i32
        %lt3A_251 = vector.broadcast %lt3A_250 : i32 to vector<16xi32>
        %lt3A_252 = arith.cmpi slt, %sub3A_246, %lt3A_251 : vector<16xi32>
        %and3A_253 = arith.andi %ge3A_249, %lt3A_252 : vector<16xi1>
        tpu.vector_store_idx %arg7[%sub3A_246], %get3A_231 masked %and3A_253 {add = true} : memref<49152xf32, #tpu.memory_space<vmem>>[vector<16xi32>], vector<16xf32>, vector<16xi1>
        %sub3A_254 = arith.constant 0 : i32
        %sub3A_255 = vector.broadcast %sub3A_254 : i32 to vector<16xi32>
        %sub3A_256 = arith.subi %get3A_219, %sub3A_255 : vector<16xi32>
        %ge3A_257 = arith.constant 0 : i32
        %ge3A_258 = vector.broadcast %ge3A_257 : i32 to vector<16xi32>
        %ge3A_259 = arith.cmpi sge, %sub3A_256, %ge3A_258 : vector<16xi32>
        %lt3A_260 = arith.constant 49152 : i32
        %lt3A_261 = vector.broadcast %lt3A_260 : i32 to vector<16xi32>
        %lt3A_262 = arith.cmpi slt, %sub3A_256, %lt3A_261 : vector<16xi32>
        %and3A_263 = arith.andi %ge3A_259, %lt3A_262 : vector<16xi1>
        tpu.vector_store_idx %arg7[%sub3A_256], %get3A_235 masked %and3A_263 {add = true} : memref<49152xf32, #tpu.memory_space<vmem>>[vector<16xi32>], vector<16xf32>, vector<16xi1>
        %sub3A_264 = arith.constant 0 : i32
        %sub3A_265 = vector.broadcast %sub3A_264 : i32 to vector<16xi32>
        %sub3A_266 = arith.subi %get3A_223, %sub3A_265 : vector<16xi32>
        %ge3A_267 = arith.constant 0 : i32
        %ge3A_268 = vector.broadcast %ge3A_267 : i32 to vector<16xi32>
        %ge3A_269 = arith.cmpi sge, %sub3A_266, %ge3A_268 : vector<16xi32>
        %lt3A_270 = arith.constant 49152 : i32
        %lt3A_271 = vector.broadcast %lt3A_270 : i32 to vector<16xi32>
        %lt3A_272 = arith.cmpi slt, %sub3A_266, %lt3A_271 : vector<16xi32>
        %and3A_273 = arith.andi %ge3A_269, %lt3A_272 : vector<16xi1>
        tpu.vector_store_idx %arg7[%sub3A_266], %get3A_239 masked %and3A_273 {add = true} : memref<49152xf32, #tpu.memory_space<vmem>>[vector<16xi32>], vector<16xf32>, vector<16xi1>
        %sub3A_274 = arith.constant 0 : i32
        %sub3A_275 = vector.broadcast %sub3A_274 : i32 to vector<16xi32>
        %sub3A_276 = arith.subi %get3A_227, %sub3A_275 : vector<16xi32>
        %ge3A_277 = arith.constant 0 : i32
        %ge3A_278 = vector.broadcast %ge3A_277 : i32 to vector<16xi32>
        %ge3A_279 = arith.cmpi sge, %sub3A_276, %ge3A_278 : vector<16xi32>
        %lt3A_280 = arith.constant 49152 : i32
        %lt3A_281 = vector.broadcast %lt3A_280 : i32 to vector<16xi32>
        %lt3A_282 = arith.cmpi slt, %sub3A_276, %lt3A_281 : vector<16xi32>
        %and3A_283 = arith.andi %ge3A_279, %lt3A_282 : vector<16xi1>
        tpu.vector_store_idx %arg7[%sub3A_276], %get3A_243 masked %and3A_283 {add = true} : memref<49152xf32, #tpu.memory_space<vmem>>[vector<16xi32>], vector<16xf32>, vector<16xi1>
      }
      %scan3A_74 = arith.constant 576 : i32
      %scan3A_75 = arith.constant 0 : i32
      %scan3A_76 = arith.constant 0 : i32
      %scan3A_77 = arith.constant 128 : i32
      %scan3A_78 = arith.addi %scan3A_76, %scan3A_77 : i32
      %scan3A_79 = arith.constant 1 : i32
      scf.for %scan3A_135 = %scan3A_76 to %scan3A_78 step %scan3A_79  : i32 {
        %mul3A_136 = arith.constant 384 : i32
        %mul3A_137 = arith.muli %scan3A_135, %mul3A_136 : i32
        %add3A_138 = arith.constant 0 : i32
        %add3A_139 = arith.addi %add3A_138, %scan3A_135 : i32
        %dma_start3A_140 = tpu.memref_slice %arg7[%mul3A_137] : memref<49152xf32, #tpu.memory_space<vmem>> -> memref<384xf32, #tpu.memory_space<vmem>>
        %dma_start3A_141 = arith.constant 0 : i32
        %dma_start3A_142 = tpu.memref_slice %arg4[%select_n3A, %add3A_139, %select_n3A_40, %dma_start3A_141] : memref<4x384x96x384xf32, #tpu.memory_space<hbm>> -> memref<1x1x1x384xf32, #tpu.memory_space<hbm>>
        %dma_start3A_143 = tpu.memref_squeeze %dma_start3A_142 : memref<1x1x1x384xf32, #tpu.memory_space<hbm>> -> memref<384xf32, #tpu.memory_space<hbm>>
        %dma_start3A_144 = arith.constant 0 : i32
        %dma_start3A_145 = tpu.memref_slice %arg4[%select_n3A, %add3A_139, %select_n3A_40, %dma_start3A_144] : memref<4x384x96x384xf32, #tpu.memory_space<hbm>> -> memref<1x1x1x384xf32, #tpu.memory_space<hbm>>
        %dma_start3A_146 = tpu.memref_squeeze %dma_start3A_145 : memref<1x1x1x384xf32, #tpu.memory_space<hbm>> -> memref<384xf32, #tpu.memory_space<hbm>>
        %dma_start3A_147 = tpu.memref_slice %arg7[%mul3A_137] : memref<49152xf32, #tpu.memory_space<vmem>> -> memref<384xf32, #tpu.memory_space<vmem>>
        tpu.enqueue_dma source(%dma_start3A_147 : memref<384xf32, #tpu.memory_space<vmem>>) target(%dma_start3A_146 : memref<384xf32, #tpu.memory_space<hbm>>) target_semaphore(%arg9 : memref<!tpu.dma_semaphore, #tpu.memory_space<semaphore_mem>>)
      }
      %scan3A_80 = arith.constant 128 : i32
      %scan3A_81 = arith.constant 0 : i32
      %scan3A_82 = arith.constant 0 : i32
      %scan3A_83 = arith.constant 128 : i32
      %scan3A_84 = arith.addi %scan3A_82, %scan3A_83 : i32
      %scan3A_85 = arith.constant 1 : i32
      scf.for %scan3A_135 = %scan3A_82 to %scan3A_84 step %scan3A_85  : i32 {
        %dma_wait3A_136 = arith.constant 0 : i32
        %dma_wait3A_137 = arith.constant 0 : i32
        %dma_wait3A_138 = tpu.memref_slice %arg7[%dma_wait3A_137] : memref<49152xf32, #tpu.memory_space<vmem>> -> memref<384xf32, #tpu.memory_space<vmem>>
        %dma_wait3A_139 = arith.constant 0 : i32
        %dma_wait3A_140 = tpu.memref_slice %arg4[%select_n3A, %dma_wait3A_136, %select_n3A_40, %dma_wait3A_139] : memref<4x384x96x384xf32, #tpu.memory_space<hbm>> -> memref<1x1x1x384xf32, #tpu.memory_space<hbm>>
        %dma_wait3A_141 = tpu.memref_squeeze %dma_wait3A_140 : memref<1x1x1x384xf32, #tpu.memory_space<hbm>> -> memref<384xf32, #tpu.memory_space<hbm>>
        %dma_wait3A_142 = arith.constant 0 : i32
        %dma_wait3A_143 = tpu.memref_slice %arg4[%select_n3A, %dma_wait3A_136, %select_n3A_40, %dma_wait3A_142] : memref<4x384x96x384xf32, #tpu.memory_space<hbm>> -> memref<1x1x1x384xf32, #tpu.memory_space<hbm>>
        %dma_wait3A_144 = tpu.memref_squeeze %dma_wait3A_143 : memref<1x1x1x384xf32, #tpu.memory_space<hbm>> -> memref<384xf32, #tpu.memory_space<hbm>>
        %dma_wait3A_145 = arith.constant 0 : i32
        %dma_wait3A_146 = tpu.memref_slice %arg7[%dma_wait3A_145] : memref<49152xf32, #tpu.memory_space<vmem>> -> memref<384xf32, #tpu.memory_space<vmem>>
        tpu.wait_dma2 semaphore(%arg9 : memref<!tpu.dma_semaphore, #tpu.memory_space<semaphore_mem>>) src(%dma_wait3A_146 : memref<384xf32, #tpu.memory_space<vmem>>) dst(%dma_wait3A_144 : memref<384xf32, #tpu.memory_space<hbm>>)
      }
      %scan3A_86 = arith.constant 128 : i32
      %scan3A_87 = arith.constant 0 : i32
      %scan3A_88 = arith.constant 0 : i32
      %scan3A_89 = arith.constant 3072 : i32
      %scan3A_90 = arith.addi %scan3A_88, %scan3A_89 : i32
      %scan3A_91 = arith.constant 8 : i32
      scf.for %scan3A_135 = %scan3A_88 to %scan3A_90 step %scan3A_91  : i32 {
        %mul3A_136 = arith.constant 16 : i32
        %mul3A_137 = arith.muli %scan3A_135, %mul3A_136 : i32
        %swap3A = arith.index_cast %mul3A_137 : i32 to index
        %swap3A_138 = tpu.vector_load %arg7[%swap3A] {strides = array<i32>} : memref<49152xf32, #tpu.memory_space<vmem>>, vector<16xf32>,
        tpu.vector_store %arg7[%swap3A], %broadcast_in_dim3A_1 {strides = array<i32>} : memref<49152xf32, #tpu.memory_space<vmem>>, vector<16xf32>,
        %scan3A_139 = arith.constant 1 : i32
        %scan3A_140 = arith.addi %scan3A_135, %scan3A_139 : i32
        %mul3A_141 = arith.constant 16 : i32
        %mul3A_142 = arith.muli %scan3A_140, %mul3A_141 : i32
        %swap3A_143 = arith.index_cast %mul3A_142 : i32 to index
        %swap3A_144 = tpu.vector_load %arg7[%swap3A_143] {strides = array<i32>} : memref<49152xf32, #tpu.memory_space<vmem>>, vector<16xf32>,
        tpu.vector_store %arg7[%swap3A_143], %broadcast_in_dim3A_1 {strides = array<i32>} : memref<49152xf32, #tpu.memory_space<vmem>>, vector<16xf32>,
        %scan3A_145 = arith.constant 2 : i32
        %scan3A_146 = arith.addi %scan3A_135, %scan3A_145 : i32
        %mul3A_147 = arith.constant 16 : i32
        %mul3A_148 = arith.muli %scan3A_146, %mul3A_147 : i32
        %swap3A_149 = arith.index_cast %mul3A_148 : i32 to index
        %swap3A_150 = tpu.vector_load %arg7[%swap3A_149] {strides = array<i32>} : memref<49152xf32, #tpu.memory_space<vmem>>, vector<16xf32>,
        tpu.vector_store %arg7[%swap3A_149], %broadcast_in_dim3A_1 {strides = array<i32>} : memref<49152xf32, #tpu.memory_space<vmem>>, vector<16xf32>,
        %scan3A_151 = arith.constant 3 : i32
        %scan3A_152 = arith.addi %scan3A_135, %scan3A_151 : i32
        %mul3A_153 = arith.constant 16 : i32
        %mul3A_154 = arith.muli %scan3A_152, %mul3A_153 : i32
        %swap3A_155 = arith.index_cast %mul3A_154 : i32 to index
        %swap3A_156 = tpu.vector_load %arg7[%swap3A_155] {strides = array<i32>} : memref<49152xf32, #tpu.memory_space<vmem>>, vector<16xf32>,
        tpu.vector_store %arg7[%swap3A_155], %broadcast_in_dim3A_1 {strides = array<i32>} : memref<49152xf32, #tpu.memory_space<vmem>>, vector<16xf32>,
        %scan3A_157 = arith.constant 4 : i32
        %scan3A_158 = arith.addi %scan3A_135, %scan3A_157 : i32
        %mul3A_159 = arith.constant 16 : i32
        %mul3A_160 = arith.muli %scan3A_158, %mul3A_159 : i32
        %swap3A_161 = arith.index_cast %mul3A_160 : i32 to index
        %swap3A_162 = tpu.vector_load %arg7[%swap3A_161] {strides = array<i32>} : memref<49152xf32, #tpu.memory_space<vmem>>, vector<16xf32>,
        tpu.vector_store %arg7[%swap3A_161], %broadcast_in_dim3A_1 {strides = array<i32>} : memref<49152xf32, #tpu.memory_space<vmem>>, vector<16xf32>,
        %scan3A_163 = arith.constant 5 : i32
        %scan3A_164 = arith.addi %scan3A_135, %scan3A_163 : i32
        %mul3A_165 = arith.constant 16 : i32
        %mul3A_166 = arith.muli %scan3A_164, %mul3A_165 : i32
        %swap3A_167 = arith.index_cast %mul3A_166 : i32 to index
        %swap3A_168 = tpu.vector_load %arg7[%swap3A_167] {strides = array<i32>} : memref<49152xf32, #tpu.memory_space<vmem>>, vector<16xf32>,
        tpu.vector_store %arg7[%swap3A_167], %broadcast_in_dim3A_1 {strides = array<i32>} : memref<49152xf32, #tpu.memory_space<vmem>>, vector<16xf32>,
        %scan3A_169 = arith.constant 6 : i32
        %scan3A_170 = arith.addi %scan3A_135, %scan3A_169 : i32
        %mul3A_171 = arith.constant 16 : i32
        %mul3A_172 = arith.muli %scan3A_170, %mul3A_171 : i32
        %swap3A_173 = arith.index_cast %mul3A_172 : i32 to index
        %swap3A_174 = tpu.vector_load %arg7[%swap3A_173] {strides = array<i32>} : memref<49152xf32, #tpu.memory_space<vmem>>, vector<16xf32>,
        tpu.vector_store %arg7[%swap3A_173], %broadcast_in_dim3A_1 {strides = array<i32>} : memref<49152xf32, #tpu.memory_space<vmem>>, vector<16xf32>,
        %scan3A_175 = arith.constant 7 : i32
        %scan3A_176 = arith.addi %scan3A_135, %scan3A_175 : i32
        %mul3A_177 = arith.constant 16 : i32
        %mul3A_178 = arith.muli %scan3A_176, %mul3A_177 : i32
        %swap3A_179 = arith.index_cast %mul3A_178 : i32 to index
        %swap3A_180 = tpu.vector_load %arg7[%swap3A_179] {strides = array<i32>} : memref<49152xf32, #tpu.memory_space<vmem>>, vector<16xf32>,
        tpu.vector_store %arg7[%swap3A_179], %broadcast_in_dim3A_1 {strides = array<i32>} : memref<49152xf32, #tpu.memory_space<vmem>>, vector<16xf32>,
      }
      %scan3A_92 = arith.constant 3072 : i32
      %scan3A_93 = arith.constant 0 : i32
      %scan3A_94 = arith.constant 0 : i32
      %scan3A_95 = arith.constant 576 : i32
      %scan3A_96 = arith.addi %scan3A_94, %scan3A_95 : i32
      %scan3A_97 = arith.constant 2 : i32
      scf.for %scan3A_135 = %scan3A_94 to %scan3A_96 step %scan3A_97  : i32 {
        %mul3A_136 = arith.constant 64 : i32
        %mul3A_137 = arith.muli %scan3A_135, %mul3A_136 : i32
        %add3A_138 = arith.constant 0 : i32
        %add3A_139 = arith.addi %mul3A_137, %add3A_138 : i32
        %get3A = arith.index_cast %add3A_139 : i32 to index
        %get3A_140 = tpu.vector_load %arg5[%get3A] {strides = array<i32>} : memref<36864xi32, #tpu.memory_space<vmem>>, vector<16xi32>,
        %add3A_141 = arith.constant 16 : i32
        %add3A_142 = arith.addi %mul3A_137, %add3A_141 : i32
        %get3A_143 = arith.index_cast %add3A_142 : i32 to index
        %get3A_144 = tpu.vector_load %arg5[%get3A_143] {strides = array<i32>} : memref<36864xi32, #tpu.memory_space<vmem>>, vector<16xi32>,
        %add3A_145 = arith.constant 32 : i32
        %add3A_146 = arith.addi %mul3A_137, %add3A_145 : i32
        %get3A_147 = arith.index_cast %add3A_146 : i32 to index
        %get3A_148 = tpu.vector_load %arg5[%get3A_147] {strides = array<i32>} : memref<36864xi32, #tpu.memory_space<vmem>>, vector<16xi32>,
        %add3A_149 = arith.constant 48 : i32
        %add3A_150 = arith.addi %mul3A_137, %add3A_149 : i32
        %get3A_151 = arith.index_cast %add3A_150 : i32 to index
        %get3A_152 = tpu.vector_load %arg5[%get3A_151] {strides = array<i32>} : memref<36864xi32, #tpu.memory_space<vmem>>, vector<16xi32>,
        %add3A_153 = arith.constant 0 : i32
        %add3A_154 = arith.addi %mul3A_137, %add3A_153 : i32
        %get3A_155 = arith.index_cast %add3A_154 : i32 to index
        %get3A_156 = tpu.vector_load %arg6[%get3A_155] {strides = array<i32>} : memref<36864xf32, #tpu.memory_space<vmem>>, vector<16xf32>,
        %add3A_157 = arith.constant 16 : i32
        %add3A_158 = arith.addi %mul3A_137, %add3A_157 : i32
        %get3A_159 = arith.index_cast %add3A_158 : i32 to index
        %get3A_160 = tpu.vector_load %arg6[%get3A_159] {strides = array<i32>} : memref<36864xf32, #tpu.memory_space<vmem>>, vector<16xf32>,
        %add3A_161 = arith.constant 32 : i32
        %add3A_162 = arith.addi %mul3A_137, %add3A_161 : i32
        %get3A_163 = arith.index_cast %add3A_162 : i32 to index
        %get3A_164 = tpu.vector_load %arg6[%get3A_163] {strides = array<i32>} : memref<36864xf32, #tpu.memory_space<vmem>>, vector<16xf32>,
        %add3A_165 = arith.constant 48 : i32
        %add3A_166 = arith.addi %mul3A_137, %add3A_165 : i32
        %get3A_167 = arith.index_cast %add3A_166 : i32 to index
        %get3A_168 = tpu.vector_load %arg6[%get3A_167] {strides = array<i32>} : memref<36864xf32, #tpu.memory_space<vmem>>, vector<16xf32>,
        %sub3A_169 = arith.constant 49152 : i32
        %sub3A_170 = vector.broadcast %sub3A_169 : i32 to vector<16xi32>
        %sub3A_171 = arith.subi %get3A_140, %sub3A_170 : vector<16xi32>
        %ge3A = arith.constant 0 : i32
        %ge3A_172 = vector.broadcast %ge3A : i32 to vector<16xi32>
        %ge3A_173 = arith.cmpi sge, %sub3A_171, %ge3A_172 : vector<16xi32>
        %lt3A_174 = arith.constant 49152 : i32
        %lt3A_175 = vector.broadcast %lt3A_174 : i32 to vector<16xi32>
        %lt3A_176 = arith.cmpi slt, %sub3A_171, %lt3A_175 : vector<16xi32>
        %and3A_177 = arith.andi %ge3A_173, %lt3A_176 : vector<16xi1>
        tpu.vector_store_idx %arg7[%sub3A_171], %get3A_156 masked %and3A_177 {add = true} : memref<49152xf32, #tpu.memory_space<vmem>>[vector<16xi32>], vector<16xf32>, vector<16xi1>
        %sub3A_178 = arith.constant 49152 : i32
        %sub3A_179 = vector.broadcast %sub3A_178 : i32 to vector<16xi32>
        %sub3A_180 = arith.subi %get3A_144, %sub3A_179 : vector<16xi32>
        %ge3A_181 = arith.constant 0 : i32
        %ge3A_182 = vector.broadcast %ge3A_181 : i32 to vector<16xi32>
        %ge3A_183 = arith.cmpi sge, %sub3A_180, %ge3A_182 : vector<16xi32>
        %lt3A_184 = arith.constant 49152 : i32
        %lt3A_185 = vector.broadcast %lt3A_184 : i32 to vector<16xi32>
        %lt3A_186 = arith.cmpi slt, %sub3A_180, %lt3A_185 : vector<16xi32>
        %and3A_187 = arith.andi %ge3A_183, %lt3A_186 : vector<16xi1>
        tpu.vector_store_idx %arg7[%sub3A_180], %get3A_160 masked %and3A_187 {add = true} : memref<49152xf32, #tpu.memory_space<vmem>>[vector<16xi32>], vector<16xf32>, vector<16xi1>
        %sub3A_188 = arith.constant 49152 : i32
        %sub3A_189 = vector.broadcast %sub3A_188 : i32 to vector<16xi32>
        %sub3A_190 = arith.subi %get3A_148, %sub3A_189 : vector<16xi32>
        %ge3A_191 = arith.constant 0 : i32
        %ge3A_192 = vector.broadcast %ge3A_191 : i32 to vector<16xi32>
        %ge3A_193 = arith.cmpi sge, %sub3A_190, %ge3A_192 : vector<16xi32>
        %lt3A_194 = arith.constant 49152 : i32
        %lt3A_195 = vector.broadcast %lt3A_194 : i32 to vector<16xi32>
        %lt3A_196 = arith.cmpi slt, %sub3A_190, %lt3A_195 : vector<16xi32>
        %and3A_197 = arith.andi %ge3A_193, %lt3A_196 : vector<16xi1>
        tpu.vector_store_idx %arg7[%sub3A_190], %get3A_164 masked %and3A_197 {add = true} : memref<49152xf32, #tpu.memory_space<vmem>>[vector<16xi32>], vector<16xf32>, vector<16xi1>
        %sub3A_198 = arith.constant 49152 : i32
        %sub3A_199 = vector.broadcast %sub3A_198 : i32 to vector<16xi32>
        %sub3A_200 = arith.subi %get3A_152, %sub3A_199 : vector<16xi32>
        %ge3A_201 = arith.constant 0 : i32
        %ge3A_202 = vector.broadcast %ge3A_201 : i32 to vector<16xi32>
        %ge3A_203 = arith.cmpi sge, %sub3A_200, %ge3A_202 : vector<16xi32>
        %lt3A_204 = arith.constant 49152 : i32
        %lt3A_205 = vector.broadcast %lt3A_204 : i32 to vector<16xi32>
        %lt3A_206 = arith.cmpi slt, %sub3A_200, %lt3A_205 : vector<16xi32>
        %and3A_207 = arith.andi %ge3A_203, %lt3A_206 : vector<16xi1>
        tpu.vector_store_idx %arg7[%sub3A_200], %get3A_168 masked %and3A_207 {add = true} : memref<49152xf32, #tpu.memory_space<vmem>>[vector<16xi32>], vector<16xf32>, vector<16xi1>
        %scan3A_208 = arith.constant 1 : i32
        %scan3A_209 = arith.addi %scan3A_135, %scan3A_208 : i32
        %mul3A_210 = arith.constant 64 : i32
        %mul3A_211 = arith.muli %scan3A_209, %mul3A_210 : i32
        %add3A_212 = arith.constant 0 : i32
        %add3A_213 = arith.addi %mul3A_211, %add3A_212 : i32
        %get3A_214 = arith.index_cast %add3A_213 : i32 to index
        %get3A_215 = tpu.vector_load %arg5[%get3A_214] {strides = array<i32>} : memref<36864xi32, #tpu.memory_space<vmem>>, vector<16xi32>,
        %add3A_216 = arith.constant 16 : i32
        %add3A_217 = arith.addi %mul3A_211, %add3A_216 : i32
        %get3A_218 = arith.index_cast %add3A_217 : i32 to index
        %get3A_219 = tpu.vector_load %arg5[%get3A_218] {strides = array<i32>} : memref<36864xi32, #tpu.memory_space<vmem>>, vector<16xi32>,
        %add3A_220 = arith.constant 32 : i32
        %add3A_221 = arith.addi %mul3A_211, %add3A_220 : i32
        %get3A_222 = arith.index_cast %add3A_221 : i32 to index
        %get3A_223 = tpu.vector_load %arg5[%get3A_222] {strides = array<i32>} : memref<36864xi32, #tpu.memory_space<vmem>>, vector<16xi32>,
        %add3A_224 = arith.constant 48 : i32
        %add3A_225 = arith.addi %mul3A_211, %add3A_224 : i32
        %get3A_226 = arith.index_cast %add3A_225 : i32 to index
        %get3A_227 = tpu.vector_load %arg5[%get3A_226] {strides = array<i32>} : memref<36864xi32, #tpu.memory_space<vmem>>, vector<16xi32>,
        %add3A_228 = arith.constant 0 : i32
        %add3A_229 = arith.addi %mul3A_211, %add3A_228 : i32
        %get3A_230 = arith.index_cast %add3A_229 : i32 to index
        %get3A_231 = tpu.vector_load %arg6[%get3A_230] {strides = array<i32>} : memref<36864xf32, #tpu.memory_space<vmem>>, vector<16xf32>,
        %add3A_232 = arith.constant 16 : i32
        %add3A_233 = arith.addi %mul3A_211, %add3A_232 : i32
        %get3A_234 = arith.index_cast %add3A_233 : i32 to index
        %get3A_235 = tpu.vector_load %arg6[%get3A_234] {strides = array<i32>} : memref<36864xf32, #tpu.memory_space<vmem>>, vector<16xf32>,
        %add3A_236 = arith.constant 32 : i32
        %add3A_237 = arith.addi %mul3A_211, %add3A_236 : i32
        %get3A_238 = arith.index_cast %add3A_237 : i32 to index
        %get3A_239 = tpu.vector_load %arg6[%get3A_238] {strides = array<i32>} : memref<36864xf32, #tpu.memory_space<vmem>>, vector<16xf32>,
        %add3A_240 = arith.constant 48 : i32
        %add3A_241 = arith.addi %mul3A_211, %add3A_240 : i32
        %get3A_242 = arith.index_cast %add3A_241 : i32 to index
        %get3A_243 = tpu.vector_load %arg6[%get3A_242] {strides = array<i32>} : memref<36864xf32, #tpu.memory_space<vmem>>, vector<16xf32>,
        %sub3A_244 = arith.constant 49152 : i32
        %sub3A_245 = vector.broadcast %sub3A_244 : i32 to vector<16xi32>
        %sub3A_246 = arith.subi %get3A_215, %sub3A_245 : vector<16xi32>
        %ge3A_247 = arith.constant 0 : i32
        %ge3A_248 = vector.broadcast %ge3A_247 : i32 to vector<16xi32>
        %ge3A_249 = arith.cmpi sge, %sub3A_246, %ge3A_248 : vector<16xi32>
        %lt3A_250 = arith.constant 49152 : i32
        %lt3A_251 = vector.broadcast %lt3A_250 : i32 to vector<16xi32>
        %lt3A_252 = arith.cmpi slt, %sub3A_246, %lt3A_251 : vector<16xi32>
        %and3A_253 = arith.andi %ge3A_249, %lt3A_252 : vector<16xi1>
        tpu.vector_store_idx %arg7[%sub3A_246], %get3A_231 masked %and3A_253 {add = true} : memref<49152xf32, #tpu.memory_space<vmem>>[vector<16xi32>], vector<16xf32>, vector<16xi1>
        %sub3A_254 = arith.constant 49152 : i32
        %sub3A_255 = vector.broadcast %sub3A_254 : i32 to vector<16xi32>
        %sub3A_256 = arith.subi %get3A_219, %sub3A_255 : vector<16xi32>
        %ge3A_257 = arith.constant 0 : i32
        %ge3A_258 = vector.broadcast %ge3A_257 : i32 to vector<16xi32>
        %ge3A_259 = arith.cmpi sge, %sub3A_256, %ge3A_258 : vector<16xi32>
        %lt3A_260 = arith.constant 49152 : i32
        %lt3A_261 = vector.broadcast %lt3A_260 : i32 to vector<16xi32>
        %lt3A_262 = arith.cmpi slt, %sub3A_256, %lt3A_261 : vector<16xi32>
        %and3A_263 = arith.andi %ge3A_259, %lt3A_262 : vector<16xi1>
        tpu.vector_store_idx %arg7[%sub3A_256], %get3A_235 masked %and3A_263 {add = true} : memref<49152xf32, #tpu.memory_space<vmem>>[vector<16xi32>], vector<16xf32>, vector<16xi1>
        %sub3A_264 = arith.constant 49152 : i32
        %sub3A_265 = vector.broadcast %sub3A_264 : i32 to vector<16xi32>
        %sub3A_266 = arith.subi %get3A_223, %sub3A_265 : vector<16xi32>
        %ge3A_267 = arith.constant 0 : i32
        %ge3A_268 = vector.broadcast %ge3A_267 : i32 to vector<16xi32>
        %ge3A_269 = arith.cmpi sge, %sub3A_266, %ge3A_268 : vector<16xi32>
        %lt3A_270 = arith.constant 49152 : i32
        %lt3A_271 = vector.broadcast %lt3A_270 : i32 to vector<16xi32>
        %lt3A_272 = arith.cmpi slt, %sub3A_266, %lt3A_271 : vector<16xi32>
        %and3A_273 = arith.andi %ge3A_269, %lt3A_272 : vector<16xi1>
        tpu.vector_store_idx %arg7[%sub3A_266], %get3A_239 masked %and3A_273 {add = true} : memref<49152xf32, #tpu.memory_space<vmem>>[vector<16xi32>], vector<16xf32>, vector<16xi1>
        %sub3A_274 = arith.constant 49152 : i32
        %sub3A_275 = vector.broadcast %sub3A_274 : i32 to vector<16xi32>
        %sub3A_276 = arith.subi %get3A_227, %sub3A_275 : vector<16xi32>
        %ge3A_277 = arith.constant 0 : i32
        %ge3A_278 = vector.broadcast %ge3A_277 : i32 to vector<16xi32>
        %ge3A_279 = arith.cmpi sge, %sub3A_276, %ge3A_278 : vector<16xi32>
        %lt3A_280 = arith.constant 49152 : i32
        %lt3A_281 = vector.broadcast %lt3A_280 : i32 to vector<16xi32>
        %lt3A_282 = arith.cmpi slt, %sub3A_276, %lt3A_281 : vector<16xi32>
        %and3A_283 = arith.andi %ge3A_279, %lt3A_282 : vector<16xi1>
        tpu.vector_store_idx %arg7[%sub3A_276], %get3A_243 masked %and3A_283 {add = true} : memref<49152xf32, #tpu.memory_space<vmem>>[vector<16xi32>], vector<16xf32>, vector<16xi1>
      }
      %scan3A_98 = arith.constant 576 : i32
      %scan3A_99 = arith.constant 0 : i32
      %scan3A_100 = arith.constant 0 : i32
      %scan3A_101 = arith.constant 128 : i32
      %scan3A_102 = arith.addi %scan3A_100, %scan3A_101 : i32
      %scan3A_103 = arith.constant 1 : i32
      scf.for %scan3A_135 = %scan3A_100 to %scan3A_102 step %scan3A_103  : i32 {
        %mul3A_136 = arith.constant 384 : i32
        %mul3A_137 = arith.muli %scan3A_135, %mul3A_136 : i32
        %add3A_138 = arith.constant 128 : i32
        %add3A_139 = arith.addi %add3A_138, %scan3A_135 : i32
        %dma_start3A_140 = tpu.memref_slice %arg7[%mul3A_137] : memref<49152xf32, #tpu.memory_space<vmem>> -> memref<384xf32, #tpu.memory_space<vmem>>
        %dma_start3A_141 = arith.constant 0 : i32
        %dma_start3A_142 = tpu.memref_slice %arg4[%select_n3A, %add3A_139, %select_n3A_40, %dma_start3A_141] : memref<4x384x96x384xf32, #tpu.memory_space<hbm>> -> memref<1x1x1x384xf32, #tpu.memory_space<hbm>>
        %dma_start3A_143 = tpu.memref_squeeze %dma_start3A_142 : memref<1x1x1x384xf32, #tpu.memory_space<hbm>> -> memref<384xf32, #tpu.memory_space<hbm>>
        %dma_start3A_144 = arith.constant 0 : i32
        %dma_start3A_145 = tpu.memref_slice %arg4[%select_n3A, %add3A_139, %select_n3A_40, %dma_start3A_144] : memref<4x384x96x384xf32, #tpu.memory_space<hbm>> -> memref<1x1x1x384xf32, #tpu.memory_space<hbm>>
        %dma_start3A_146 = tpu.memref_squeeze %dma_start3A_145 : memref<1x1x1x384xf32, #tpu.memory_space<hbm>> -> memref<384xf32, #tpu.memory_space<hbm>>
        %dma_start3A_147 = tpu.memref_slice %arg7[%mul3A_137] : memref<49152xf32, #tpu.memory_space<vmem>> -> memref<384xf32, #tpu.memory_space<vmem>>
        tpu.enqueue_dma source(%dma_start3A_147 : memref<384xf32, #tpu.memory_space<vmem>>) target(%dma_start3A_146 : memref<384xf32, #tpu.memory_space<hbm>>) target_semaphore(%arg9 : memref<!tpu.dma_semaphore, #tpu.memory_space<semaphore_mem>>)
      }
      %scan3A_104 = arith.constant 128 : i32
      %scan3A_105 = arith.constant 0 : i32
      %scan3A_106 = arith.constant 0 : i32
      %scan3A_107 = arith.constant 128 : i32
      %scan3A_108 = arith.addi %scan3A_106, %scan3A_107 : i32
      %scan3A_109 = arith.constant 1 : i32
      scf.for %scan3A_135 = %scan3A_106 to %scan3A_108 step %scan3A_109  : i32 {
        %dma_wait3A_136 = arith.constant 128 : i32
        %dma_wait3A_137 = arith.constant 0 : i32
        %dma_wait3A_138 = tpu.memref_slice %arg7[%dma_wait3A_137] : memref<49152xf32, #tpu.memory_space<vmem>> -> memref<384xf32, #tpu.memory_space<vmem>>
        %dma_wait3A_139 = arith.constant 0 : i32
        %dma_wait3A_140 = tpu.memref_slice %arg4[%select_n3A, %dma_wait3A_136, %select_n3A_40, %dma_wait3A_139] : memref<4x384x96x384xf32, #tpu.memory_space<hbm>> -> memref<1x1x1x384xf32, #tpu.memory_space<hbm>>
        %dma_wait3A_141 = tpu.memref_squeeze %dma_wait3A_140 : memref<1x1x1x384xf32, #tpu.memory_space<hbm>> -> memref<384xf32, #tpu.memory_space<hbm>>
        %dma_wait3A_142 = arith.constant 0 : i32
        %dma_wait3A_143 = tpu.memref_slice %arg4[%select_n3A, %dma_wait3A_136, %select_n3A_40, %dma_wait3A_142] : memref<4x384x96x384xf32, #tpu.memory_space<hbm>> -> memref<1x1x1x384xf32, #tpu.memory_space<hbm>>
        %dma_wait3A_144 = tpu.memref_squeeze %dma_wait3A_143 : memref<1x1x1x384xf32, #tpu.memory_space<hbm>> -> memref<384xf32, #tpu.memory_space<hbm>>
        %dma_wait3A_145 = arith.constant 0 : i32
        %dma_wait3A_146 = tpu.memref_slice %arg7[%dma_wait3A_145] : memref<49152xf32, #tpu.memory_space<vmem>> -> memref<384xf32, #tpu.memory_space<vmem>>
        tpu.wait_dma2 semaphore(%arg9 : memref<!tpu.dma_semaphore, #tpu.memory_space<semaphore_mem>>) src(%dma_wait3A_146 : memref<384xf32, #tpu.memory_space<vmem>>) dst(%dma_wait3A_144 : memref<384xf32, #tpu.memory_space<hbm>>)
      }
      %scan3A_110 = arith.constant 128 : i32
      %scan3A_111 = arith.constant 0 : i32
      %scan3A_112 = arith.constant 0 : i32
      %scan3A_113 = arith.constant 3072 : i32
      %scan3A_114 = arith.addi %scan3A_112, %scan3A_113 : i32
      %scan3A_115 = arith.constant 8 : i32
      scf.for %scan3A_135 = %scan3A_112 to %scan3A_114 step %scan3A_115  : i32 {
        %mul3A_136 = arith.constant 16 : i32
        %mul3A_137 = arith.muli %scan3A_135, %mul3A_136 : i32
        %swap3A = arith.index_cast %mul3A_137 : i32 to index
        %swap3A_138 = tpu.vector_load %arg7[%swap3A] {strides = array<i32>} : memref<49152xf32, #tpu.memory_space<vmem>>, vector<16xf32>,
        tpu.vector_store %arg7[%swap3A], %broadcast_in_dim3A_1 {strides = array<i32>} : memref<49152xf32, #tpu.memory_space<vmem>>, vector<16xf32>,
        %scan3A_139 = arith.constant 1 : i32
        %scan3A_140 = arith.addi %scan3A_135, %scan3A_139 : i32
        %mul3A_141 = arith.constant 16 : i32
        %mul3A_142 = arith.muli %scan3A_140, %mul3A_141 : i32
        %swap3A_143 = arith.index_cast %mul3A_142 : i32 to index
        %swap3A_144 = tpu.vector_load %arg7[%swap3A_143] {strides = array<i32>} : memref<49152xf32, #tpu.memory_space<vmem>>, vector<16xf32>,
        tpu.vector_store %arg7[%swap3A_143], %broadcast_in_dim3A_1 {strides = array<i32>} : memref<49152xf32, #tpu.memory_space<vmem>>, vector<16xf32>,
        %scan3A_145 = arith.constant 2 : i32
        %scan3A_146 = arith.addi %scan3A_135, %scan3A_145 : i32
        %mul3A_147 = arith.constant 16 : i32
        %mul3A_148 = arith.muli %scan3A_146, %mul3A_147 : i32
        %swap3A_149 = arith.index_cast %mul3A_148 : i32 to index
        %swap3A_150 = tpu.vector_load %arg7[%swap3A_149] {strides = array<i32>} : memref<49152xf32, #tpu.memory_space<vmem>>, vector<16xf32>,
        tpu.vector_store %arg7[%swap3A_149], %broadcast_in_dim3A_1 {strides = array<i32>} : memref<49152xf32, #tpu.memory_space<vmem>>, vector<16xf32>,
        %scan3A_151 = arith.constant 3 : i32
        %scan3A_152 = arith.addi %scan3A_135, %scan3A_151 : i32
        %mul3A_153 = arith.constant 16 : i32
        %mul3A_154 = arith.muli %scan3A_152, %mul3A_153 : i32
        %swap3A_155 = arith.index_cast %mul3A_154 : i32 to index
        %swap3A_156 = tpu.vector_load %arg7[%swap3A_155] {strides = array<i32>} : memref<49152xf32, #tpu.memory_space<vmem>>, vector<16xf32>,
        tpu.vector_store %arg7[%swap3A_155], %broadcast_in_dim3A_1 {strides = array<i32>} : memref<49152xf32, #tpu.memory_space<vmem>>, vector<16xf32>,
        %scan3A_157 = arith.constant 4 : i32
        %scan3A_158 = arith.addi %scan3A_135, %scan3A_157 : i32
        %mul3A_159 = arith.constant 16 : i32
        %mul3A_160 = arith.muli %scan3A_158, %mul3A_159 : i32
        %swap3A_161 = arith.index_cast %mul3A_160 : i32 to index
        %swap3A_162 = tpu.vector_load %arg7[%swap3A_161] {strides = array<i32>} : memref<49152xf32, #tpu.memory_space<vmem>>, vector<16xf32>,
        tpu.vector_store %arg7[%swap3A_161], %broadcast_in_dim3A_1 {strides = array<i32>} : memref<49152xf32, #tpu.memory_space<vmem>>, vector<16xf32>,
        %scan3A_163 = arith.constant 5 : i32
        %scan3A_164 = arith.addi %scan3A_135, %scan3A_163 : i32
        %mul3A_165 = arith.constant 16 : i32
        %mul3A_166 = arith.muli %scan3A_164, %mul3A_165 : i32
        %swap3A_167 = arith.index_cast %mul3A_166 : i32 to index
        %swap3A_168 = tpu.vector_load %arg7[%swap3A_167] {strides = array<i32>} : memref<49152xf32, #tpu.memory_space<vmem>>, vector<16xf32>,
        tpu.vector_store %arg7[%swap3A_167], %broadcast_in_dim3A_1 {strides = array<i32>} : memref<49152xf32, #tpu.memory_space<vmem>>, vector<16xf32>,
        %scan3A_169 = arith.constant 6 : i32
        %scan3A_170 = arith.addi %scan3A_135, %scan3A_169 : i32
        %mul3A_171 = arith.constant 16 : i32
        %mul3A_172 = arith.muli %scan3A_170, %mul3A_171 : i32
        %swap3A_173 = arith.index_cast %mul3A_172 : i32 to index
        %swap3A_174 = tpu.vector_load %arg7[%swap3A_173] {strides = array<i32>} : memref<49152xf32, #tpu.memory_space<vmem>>, vector<16xf32>,
        tpu.vector_store %arg7[%swap3A_173], %broadcast_in_dim3A_1 {strides = array<i32>} : memref<49152xf32, #tpu.memory_space<vmem>>, vector<16xf32>,
        %scan3A_175 = arith.constant 7 : i32
        %scan3A_176 = arith.addi %scan3A_135, %scan3A_175 : i32
        %mul3A_177 = arith.constant 16 : i32
        %mul3A_178 = arith.muli %scan3A_176, %mul3A_177 : i32
        %swap3A_179 = arith.index_cast %mul3A_178 : i32 to index
        %swap3A_180 = tpu.vector_load %arg7[%swap3A_179] {strides = array<i32>} : memref<49152xf32, #tpu.memory_space<vmem>>, vector<16xf32>,
        tpu.vector_store %arg7[%swap3A_179], %broadcast_in_dim3A_1 {strides = array<i32>} : memref<49152xf32, #tpu.memory_space<vmem>>, vector<16xf32>,
      }
      %scan3A_116 = arith.constant 3072 : i32
      %scan3A_117 = arith.constant 0 : i32
      %scan3A_118 = arith.constant 0 : i32
      %scan3A_119 = arith.constant 576 : i32
      %scan3A_120 = arith.addi %scan3A_118, %scan3A_119 : i32
      %scan3A_121 = arith.constant 2 : i32
      scf.for %scan3A_135 = %scan3A_118 to %scan3A_120 step %scan3A_121  : i32 {
        %mul3A_136 = arith.constant 64 : i32
        %mul3A_137 = arith.muli %scan3A_135, %mul3A_136 : i32
        %add3A_138 = arith.constant 0 : i32
        %add3A_139 = arith.addi %mul3A_137, %add3A_138 : i32
        %get3A = arith.index_cast %add3A_139 : i32 to index
        %get3A_140 = tpu.vector_load %arg5[%get3A] {strides = array<i32>} : memref<36864xi32, #tpu.memory_space<vmem>>, vector<16xi32>,
        %add3A_141 = arith.constant 16 : i32
        %add3A_142 = arith.addi %mul3A_137, %add3A_141 : i32
        %get3A_143 = arith.index_cast %add3A_142 : i32 to index
        %get3A_144 = tpu.vector_load %arg5[%get3A_143] {strides = array<i32>} : memref<36864xi32, #tpu.memory_space<vmem>>, vector<16xi32>,
        %add3A_145 = arith.constant 32 : i32
        %add3A_146 = arith.addi %mul3A_137, %add3A_145 : i32
        %get3A_147 = arith.index_cast %add3A_146 : i32 to index
        %get3A_148 = tpu.vector_load %arg5[%get3A_147] {strides = array<i32>} : memref<36864xi32, #tpu.memory_space<vmem>>, vector<16xi32>,
        %add3A_149 = arith.constant 48 : i32
        %add3A_150 = arith.addi %mul3A_137, %add3A_149 : i32
        %get3A_151 = arith.index_cast %add3A_150 : i32 to index
        %get3A_152 = tpu.vector_load %arg5[%get3A_151] {strides = array<i32>} : memref<36864xi32, #tpu.memory_space<vmem>>, vector<16xi32>,
        %add3A_153 = arith.constant 0 : i32
        %add3A_154 = arith.addi %mul3A_137, %add3A_153 : i32
        %get3A_155 = arith.index_cast %add3A_154 : i32 to index
        %get3A_156 = tpu.vector_load %arg6[%get3A_155] {strides = array<i32>} : memref<36864xf32, #tpu.memory_space<vmem>>, vector<16xf32>,
        %add3A_157 = arith.constant 16 : i32
        %add3A_158 = arith.addi %mul3A_137, %add3A_157 : i32
        %get3A_159 = arith.index_cast %add3A_158 : i32 to index
        %get3A_160 = tpu.vector_load %arg6[%get3A_159] {strides = array<i32>} : memref<36864xf32, #tpu.memory_space<vmem>>, vector<16xf32>,
        %add3A_161 = arith.constant 32 : i32
        %add3A_162 = arith.addi %mul3A_137, %add3A_161 : i32
        %get3A_163 = arith.index_cast %add3A_162 : i32 to index
        %get3A_164 = tpu.vector_load %arg6[%get3A_163] {strides = array<i32>} : memref<36864xf32, #tpu.memory_space<vmem>>, vector<16xf32>,
        %add3A_165 = arith.constant 48 : i32
        %add3A_166 = arith.addi %mul3A_137, %add3A_165 : i32
        %get3A_167 = arith.index_cast %add3A_166 : i32 to index
        %get3A_168 = tpu.vector_load %arg6[%get3A_167] {strides = array<i32>} : memref<36864xf32, #tpu.memory_space<vmem>>, vector<16xf32>,
        %sub3A_169 = arith.constant 98304 : i32
        %sub3A_170 = vector.broadcast %sub3A_169 : i32 to vector<16xi32>
        %sub3A_171 = arith.subi %get3A_140, %sub3A_170 : vector<16xi32>
        %ge3A = arith.constant 0 : i32
        %ge3A_172 = vector.broadcast %ge3A : i32 to vector<16xi32>
        %ge3A_173 = arith.cmpi sge, %sub3A_171, %ge3A_172 : vector<16xi32>
        %lt3A_174 = arith.constant 49152 : i32
        %lt3A_175 = vector.broadcast %lt3A_174 : i32 to vector<16xi32>
        %lt3A_176 = arith.cmpi slt, %sub3A_171, %lt3A_175 : vector<16xi32>
        %and3A_177 = arith.andi %ge3A_173, %lt3A_176 : vector<16xi1>
        tpu.vector_store_idx %arg7[%sub3A_171], %get3A_156 masked %and3A_177 {add = true} : memref<49152xf32, #tpu.memory_space<vmem>>[vector<16xi32>], vector<16xf32>, vector<16xi1>
        %sub3A_178 = arith.constant 98304 : i32
        %sub3A_179 = vector.broadcast %sub3A_178 : i32 to vector<16xi32>
        %sub3A_180 = arith.subi %get3A_144, %sub3A_179 : vector<16xi32>
        %ge3A_181 = arith.constant 0 : i32
        %ge3A_182 = vector.broadcast %ge3A_181 : i32 to vector<16xi32>
        %ge3A_183 = arith.cmpi sge, %sub3A_180, %ge3A_182 : vector<16xi32>
        %lt3A_184 = arith.constant 49152 : i32
        %lt3A_185 = vector.broadcast %lt3A_184 : i32 to vector<16xi32>
        %lt3A_186 = arith.cmpi slt, %sub3A_180, %lt3A_185 : vector<16xi32>
        %and3A_187 = arith.andi %ge3A_183, %lt3A_186 : vector<16xi1>
        tpu.vector_store_idx %arg7[%sub3A_180], %get3A_160 masked %and3A_187 {add = true} : memref<49152xf32, #tpu.memory_space<vmem>>[vector<16xi32>], vector<16xf32>, vector<16xi1>
        %sub3A_188 = arith.constant 98304 : i32
        %sub3A_189 = vector.broadcast %sub3A_188 : i32 to vector<16xi32>
        %sub3A_190 = arith.subi %get3A_148, %sub3A_189 : vector<16xi32>
        %ge3A_191 = arith.constant 0 : i32
        %ge3A_192 = vector.broadcast %ge3A_191 : i32 to vector<16xi32>
        %ge3A_193 = arith.cmpi sge, %sub3A_190, %ge3A_192 : vector<16xi32>
        %lt3A_194 = arith.constant 49152 : i32
        %lt3A_195 = vector.broadcast %lt3A_194 : i32 to vector<16xi32>
        %lt3A_196 = arith.cmpi slt, %sub3A_190, %lt3A_195 : vector<16xi32>
        %and3A_197 = arith.andi %ge3A_193, %lt3A_196 : vector<16xi1>
        tpu.vector_store_idx %arg7[%sub3A_190], %get3A_164 masked %and3A_197 {add = true} : memref<49152xf32, #tpu.memory_space<vmem>>[vector<16xi32>], vector<16xf32>, vector<16xi1>
        %sub3A_198 = arith.constant 98304 : i32
        %sub3A_199 = vector.broadcast %sub3A_198 : i32 to vector<16xi32>
        %sub3A_200 = arith.subi %get3A_152, %sub3A_199 : vector<16xi32>
        %ge3A_201 = arith.constant 0 : i32
        %ge3A_202 = vector.broadcast %ge3A_201 : i32 to vector<16xi32>
        %ge3A_203 = arith.cmpi sge, %sub3A_200, %ge3A_202 : vector<16xi32>
        %lt3A_204 = arith.constant 49152 : i32
        %lt3A_205 = vector.broadcast %lt3A_204 : i32 to vector<16xi32>
        %lt3A_206 = arith.cmpi slt, %sub3A_200, %lt3A_205 : vector<16xi32>
        %and3A_207 = arith.andi %ge3A_203, %lt3A_206 : vector<16xi1>
        tpu.vector_store_idx %arg7[%sub3A_200], %get3A_168 masked %and3A_207 {add = true} : memref<49152xf32, #tpu.memory_space<vmem>>[vector<16xi32>], vector<16xf32>, vector<16xi1>
        %scan3A_208 = arith.constant 1 : i32
        %scan3A_209 = arith.addi %scan3A_135, %scan3A_208 : i32
        %mul3A_210 = arith.constant 64 : i32
        %mul3A_211 = arith.muli %scan3A_209, %mul3A_210 : i32
        %add3A_212 = arith.constant 0 : i32
        %add3A_213 = arith.addi %mul3A_211, %add3A_212 : i32
        %get3A_214 = arith.index_cast %add3A_213 : i32 to index
        %get3A_215 = tpu.vector_load %arg5[%get3A_214] {strides = array<i32>} : memref<36864xi32, #tpu.memory_space<vmem>>, vector<16xi32>,
        %add3A_216 = arith.constant 16 : i32
        %add3A_217 = arith.addi %mul3A_211, %add3A_216 : i32
        %get3A_218 = arith.index_cast %add3A_217 : i32 to index
        %get3A_219 = tpu.vector_load %arg5[%get3A_218] {strides = array<i32>} : memref<36864xi32, #tpu.memory_space<vmem>>, vector<16xi32>,
        %add3A_220 = arith.constant 32 : i32
        %add3A_221 = arith.addi %mul3A_211, %add3A_220 : i32
        %get3A_222 = arith.index_cast %add3A_221 : i32 to index
        %get3A_223 = tpu.vector_load %arg5[%get3A_222] {strides = array<i32>} : memref<36864xi32, #tpu.memory_space<vmem>>, vector<16xi32>,
        %add3A_224 = arith.constant 48 : i32
        %add3A_225 = arith.addi %mul3A_211, %add3A_224 : i32
        %get3A_226 = arith.index_cast %add3A_225 : i32 to index
        %get3A_227 = tpu.vector_load %arg5[%get3A_226] {strides = array<i32>} : memref<36864xi32, #tpu.memory_space<vmem>>, vector<16xi32>,
        %add3A_228 = arith.constant 0 : i32
        %add3A_229 = arith.addi %mul3A_211, %add3A_228 : i32
        %get3A_230 = arith.index_cast %add3A_229 : i32 to index
        %get3A_231 = tpu.vector_load %arg6[%get3A_230] {strides = array<i32>} : memref<36864xf32, #tpu.memory_space<vmem>>, vector<16xf32>,
        %add3A_232 = arith.constant 16 : i32
        %add3A_233 = arith.addi %mul3A_211, %add3A_232 : i32
        %get3A_234 = arith.index_cast %add3A_233 : i32 to index
        %get3A_235 = tpu.vector_load %arg6[%get3A_234] {strides = array<i32>} : memref<36864xf32, #tpu.memory_space<vmem>>, vector<16xf32>,
        %add3A_236 = arith.constant 32 : i32
        %add3A_237 = arith.addi %mul3A_211, %add3A_236 : i32
        %get3A_238 = arith.index_cast %add3A_237 : i32 to index
        %get3A_239 = tpu.vector_load %arg6[%get3A_238] {strides = array<i32>} : memref<36864xf32, #tpu.memory_space<vmem>>, vector<16xf32>,
        %add3A_240 = arith.constant 48 : i32
        %add3A_241 = arith.addi %mul3A_211, %add3A_240 : i32
        %get3A_242 = arith.index_cast %add3A_241 : i32 to index
        %get3A_243 = tpu.vector_load %arg6[%get3A_242] {strides = array<i32>} : memref<36864xf32, #tpu.memory_space<vmem>>, vector<16xf32>,
        %sub3A_244 = arith.constant 98304 : i32
        %sub3A_245 = vector.broadcast %sub3A_244 : i32 to vector<16xi32>
        %sub3A_246 = arith.subi %get3A_215, %sub3A_245 : vector<16xi32>
        %ge3A_247 = arith.constant 0 : i32
        %ge3A_248 = vector.broadcast %ge3A_247 : i32 to vector<16xi32>
        %ge3A_249 = arith.cmpi sge, %sub3A_246, %ge3A_248 : vector<16xi32>
        %lt3A_250 = arith.constant 49152 : i32
        %lt3A_251 = vector.broadcast %lt3A_250 : i32 to vector<16xi32>
        %lt3A_252 = arith.cmpi slt, %sub3A_246, %lt3A_251 : vector<16xi32>
        %and3A_253 = arith.andi %ge3A_249, %lt3A_252 : vector<16xi1>
        tpu.vector_store_idx %arg7[%sub3A_246], %get3A_231 masked %and3A_253 {add = true} : memref<49152xf32, #tpu.memory_space<vmem>>[vector<16xi32>], vector<16xf32>, vector<16xi1>
        %sub3A_254 = arith.constant 98304 : i32
        %sub3A_255 = vector.broadcast %sub3A_254 : i32 to vector<16xi32>
        %sub3A_256 = arith.subi %get3A_219, %sub3A_255 : vector<16xi32>
        %ge3A_257 = arith.constant 0 : i32
        %ge3A_258 = vector.broadcast %ge3A_257 : i32 to vector<16xi32>
        %ge3A_259 = arith.cmpi sge, %sub3A_256, %ge3A_258 : vector<16xi32>
        %lt3A_260 = arith.constant 49152 : i32
        %lt3A_261 = vector.broadcast %lt3A_260 : i32 to vector<16xi32>
        %lt3A_262 = arith.cmpi slt, %sub3A_256, %lt3A_261 : vector<16xi32>
        %and3A_263 = arith.andi %ge3A_259, %lt3A_262 : vector<16xi1>
        tpu.vector_store_idx %arg7[%sub3A_256], %get3A_235 masked %and3A_263 {add = true} : memref<49152xf32, #tpu.memory_space<vmem>>[vector<16xi32>], vector<16xf32>, vector<16xi1>
        %sub3A_264 = arith.constant 98304 : i32
        %sub3A_265 = vector.broadcast %sub3A_264 : i32 to vector<16xi32>
        %sub3A_266 = arith.subi %get3A_223, %sub3A_265 : vector<16xi32>
        %ge3A_267 = arith.constant 0 : i32
        %ge3A_268 = vector.broadcast %ge3A_267 : i32 to vector<16xi32>
        %ge3A_269 = arith.cmpi sge, %sub3A_266, %ge3A_268 : vector<16xi32>
        %lt3A_270 = arith.constant 49152 : i32
        %lt3A_271 = vector.broadcast %lt3A_270 : i32 to vector<16xi32>
        %lt3A_272 = arith.cmpi slt, %sub3A_266, %lt3A_271 : vector<16xi32>
        %and3A_273 = arith.andi %ge3A_269, %lt3A_272 : vector<16xi1>
        tpu.vector_store_idx %arg7[%sub3A_266], %get3A_239 masked %and3A_273 {add = true} : memref<49152xf32, #tpu.memory_space<vmem>>[vector<16xi32>], vector<16xf32>, vector<16xi1>
        %sub3A_274 = arith.constant 98304 : i32
        %sub3A_275 = vector.broadcast %sub3A_274 : i32 to vector<16xi32>
        %sub3A_276 = arith.subi %get3A_227, %sub3A_275 : vector<16xi32>
        %ge3A_277 = arith.constant 0 : i32
        %ge3A_278 = vector.broadcast %ge3A_277 : i32 to vector<16xi32>
        %ge3A_279 = arith.cmpi sge, %sub3A_276, %ge3A_278 : vector<16xi32>
        %lt3A_280 = arith.constant 49152 : i32
        %lt3A_281 = vector.broadcast %lt3A_280 : i32 to vector<16xi32>
        %lt3A_282 = arith.cmpi slt, %sub3A_276, %lt3A_281 : vector<16xi32>
        %and3A_283 = arith.andi %ge3A_279, %lt3A_282 : vector<16xi1>
        tpu.vector_store_idx %arg7[%sub3A_276], %get3A_243 masked %and3A_283 {add = true} : memref<49152xf32, #tpu.memory_space<vmem>>[vector<16xi32>], vector<16xf32>, vector<16xi1>
      }
      %scan3A_122 = arith.constant 576 : i32
      %scan3A_123 = arith.constant 0 : i32
      %scan3A_124 = arith.constant 0 : i32
      %scan3A_125 = arith.constant 128 : i32
      %scan3A_126 = arith.addi %scan3A_124, %scan3A_125 : i32
      %scan3A_127 = arith.constant 1 : i32
      scf.for %scan3A_135 = %scan3A_124 to %scan3A_126 step %scan3A_127  : i32 {
        %mul3A_136 = arith.constant 384 : i32
        %mul3A_137 = arith.muli %scan3A_135, %mul3A_136 : i32
        %add3A_138 = arith.constant 256 : i32
        %add3A_139 = arith.addi %add3A_138, %scan3A_135 : i32
        %dma_start3A_140 = tpu.memref_slice %arg7[%mul3A_137] : memref<49152xf32, #tpu.memory_space<vmem>> -> memref<384xf32, #tpu.memory_space<vmem>>
        %dma_start3A_141 = arith.constant 0 : i32
        %dma_start3A_142 = tpu.memref_slice %arg4[%select_n3A, %add3A_139, %select_n3A_40, %dma_start3A_141] : memref<4x384x96x384xf32, #tpu.memory_space<hbm>> -> memref<1x1x1x384xf32, #tpu.memory_space<hbm>>
        %dma_start3A_143 = tpu.memref_squeeze %dma_start3A_142 : memref<1x1x1x384xf32, #tpu.memory_space<hbm>> -> memref<384xf32, #tpu.memory_space<hbm>>
        %dma_start3A_144 = arith.constant 0 : i32
        %dma_start3A_145 = tpu.memref_slice %arg4[%select_n3A, %add3A_139, %select_n3A_40, %dma_start3A_144] : memref<4x384x96x384xf32, #tpu.memory_space<hbm>> -> memref<1x1x1x384xf32, #tpu.memory_space<hbm>>
        %dma_start3A_146 = tpu.memref_squeeze %dma_start3A_145 : memref<1x1x1x384xf32, #tpu.memory_space<hbm>> -> memref<384xf32, #tpu.memory_space<hbm>>
        %dma_start3A_147 = tpu.memref_slice %arg7[%mul3A_137] : memref<49152xf32, #tpu.memory_space<vmem>> -> memref<384xf32, #tpu.memory_space<vmem>>
        tpu.enqueue_dma source(%dma_start3A_147 : memref<384xf32, #tpu.memory_space<vmem>>) target(%dma_start3A_146 : memref<384xf32, #tpu.memory_space<hbm>>) target_semaphore(%arg9 : memref<!tpu.dma_semaphore, #tpu.memory_space<semaphore_mem>>)
      }
      %scan3A_128 = arith.constant 128 : i32
      %scan3A_129 = arith.constant 0 : i32
      %scan3A_130 = arith.constant 0 : i32
      %scan3A_131 = arith.constant 128 : i32
      %scan3A_132 = arith.addi %scan3A_130, %scan3A_131 : i32
      %scan3A_133 = arith.constant 1 : i32
      scf.for %scan3A_135 = %scan3A_130 to %scan3A_132 step %scan3A_133  : i32 {
        %dma_wait3A_136 = arith.constant 256 : i32
        %dma_wait3A_137 = arith.constant 0 : i32
        %dma_wait3A_138 = tpu.memref_slice %arg7[%dma_wait3A_137] : memref<49152xf32, #tpu.memory_space<vmem>> -> memref<384xf32, #tpu.memory_space<vmem>>
        %dma_wait3A_139 = arith.constant 0 : i32
        %dma_wait3A_140 = tpu.memref_slice %arg4[%select_n3A, %dma_wait3A_136, %select_n3A_40, %dma_wait3A_139] : memref<4x384x96x384xf32, #tpu.memory_space<hbm>> -> memref<1x1x1x384xf32, #tpu.memory_space<hbm>>
        %dma_wait3A_141 = tpu.memref_squeeze %dma_wait3A_140 : memref<1x1x1x384xf32, #tpu.memory_space<hbm>> -> memref<384xf32, #tpu.memory_space<hbm>>
        %dma_wait3A_142 = arith.constant 0 : i32
        %dma_wait3A_143 = tpu.memref_slice %arg4[%select_n3A, %dma_wait3A_136, %select_n3A_40, %dma_wait3A_142] : memref<4x384x96x384xf32, #tpu.memory_space<hbm>> -> memref<1x1x1x384xf32, #tpu.memory_space<hbm>>
        %dma_wait3A_144 = tpu.memref_squeeze %dma_wait3A_143 : memref<1x1x1x384xf32, #tpu.memory_space<hbm>> -> memref<384xf32, #tpu.memory_space<hbm>>
        %dma_wait3A_145 = arith.constant 0 : i32
        %dma_wait3A_146 = tpu.memref_slice %arg7[%dma_wait3A_145] : memref<49152xf32, #tpu.memory_space<vmem>> -> memref<384xf32, #tpu.memory_space<vmem>>
        tpu.wait_dma2 semaphore(%arg9 : memref<!tpu.dma_semaphore, #tpu.memory_space<semaphore_mem>>) src(%dma_wait3A_146 : memref<384xf32, #tpu.memory_space<vmem>>) dst(%dma_wait3A_144 : memref<384xf32, #tpu.memory_space<hbm>>)
      }
      %scan3A_134 = arith.constant 128 : i32
    }
    %scan3A_6 = arith.constant 12 : i32
    return
  }
}

module attributes {stable_mosaic.version = 14 : i64} {
  func.func @_prep_body(%arg0: i32, %arg1: i32, %arg2: memref<1x2304x96xf32, #tpu.memory_space<vmem>>, %arg3: memref<1x2304x96xi32, #tpu.memory_space<vmem>>, %arg4: memref<1x96x2304xf32, #tpu.memory_space<vmem>>, %arg5: memref<1x96x2304xi32, #tpu.memory_space<vmem>>) attributes {dimension_semantics = [#tpu.dimension_semantics<arbitrary>, #tpu.dimension_semantics<arbitrary>], iteration_bounds = array<i64: 4, 16>, scalar_prefetch = 0 : i64, scratch_operands = 0 : i64, tpu.core_type = #tpu.core_type<tc>, window_params = [{transform_indices = @transform_0, window_bounds = array<i64: 1, 2304, 96>}, {transform_indices = @transform_1, window_bounds = array<i64: 1, 2304, 96>}, {transform_indices = @transform_2, window_bounds = array<i64: 1, 96, 2304>}, {transform_indices = @transform_3, window_bounds = array<i64: 1, 96, 2304>}]} {
    %get3A = arith.constant 0 : index
    %get3A_0 = arith.constant 0 : index
    %get3A_1 = arith.constant 0 : index
    %get3A_2 = vector.load %arg2[%get3A, %get3A_0, %get3A_1] : memref<1x2304x96xf32, #tpu.memory_space<vmem>>, vector<1x2304x96xf32>
    %get3A_3 = vector.shape_cast %get3A_2 : vector<1x2304x96xf32> to vector<2304x96xf32>
    %get3A_4 = arith.constant 0 : index
    %get3A_5 = arith.constant 0 : index
    %get3A_6 = arith.constant 0 : index
    %get3A_7 = vector.load %arg3[%get3A_4, %get3A_5, %get3A_6] : memref<1x2304x96xi32, #tpu.memory_space<vmem>>, vector<1x2304x96xi32>
    %get3A_8 = vector.shape_cast %get3A_7 : vector<1x2304x96xi32> to vector<2304x96xi32>
    %jit3A = arith.constant 96 : i32
    %div3A = vector.broadcast %jit3A : i32 to vector<2304x96xi32>
    %div3A_9 = arith.divsi %get3A_8, %div3A : vector<2304x96xi32>
    %sign3A = arith.constant 0 : i32
    %sign3A_10 = vector.broadcast %sign3A : i32 to vector<2304x96xi32>
    %sign3A_11 = arith.cmpi sgt, %get3A_8, %sign3A_10 : vector<2304x96xi32>
    %sign3A_12 = arith.extui %sign3A_11 : vector<2304x96xi1> to vector<2304x96xi32>
    %sign3A_13 = arith.constant 0 : i32
    %sign3A_14 = vector.broadcast %sign3A_13 : i32 to vector<2304x96xi32>
    %sign3A_15 = arith.cmpi slt, %get3A_8, %sign3A_14 : vector<2304x96xi32>
    %sign3A_16 = arith.extui %sign3A_15 : vector<2304x96xi1> to vector<2304x96xi32>
    %sign3A_17 = arith.subi %sign3A_12, %sign3A_16 : vector<2304x96xi32>
    %sign3A_18 = arith.constant 0 : i32
    %sign3A_19 = arith.cmpi sgt, %jit3A, %sign3A_18 : i32
    %sign3A_20 = arith.extui %sign3A_19 : i1 to i32
    %sign3A_21 = arith.constant 0 : i32
    %sign3A_22 = arith.cmpi slt, %jit3A, %sign3A_21 : i32
    %sign3A_23 = arith.extui %sign3A_22 : i1 to i32
    %sign3A_24 = arith.subi %sign3A_20, %sign3A_23 : i32
    %ne3A = vector.broadcast %sign3A_24 : i32 to vector<2304x96xi32>
    %ne3A_25 = arith.cmpi ne, %sign3A_17, %ne3A : vector<2304x96xi32>
    %rem3A = vector.broadcast %jit3A : i32 to vector<2304x96xi32>
    %rem3A_26 = arith.remsi %get3A_8, %rem3A : vector<2304x96xi32>
    %ne3A_27 = arith.constant 0 : i32
    %ne3A_28 = vector.broadcast %ne3A_27 : i32 to vector<2304x96xi32>
    %ne3A_29 = arith.cmpi ne, %rem3A_26, %ne3A_28 : vector<2304x96xi32>
    %and3A = arith.andi %ne3A_25, %ne3A_29 : vector<2304x96xi1>
    %sub3A = arith.constant 1 : i32
    %sub3A_30 = vector.broadcast %sub3A : i32 to vector<2304x96xi32>
    %sub3A_31 = arith.subi %div3A_9, %sub3A_30 : vector<2304x96xi32>
    %select_n3A = arith.select %and3A, %sub3A_31, %div3A_9 : vector<2304x96xi1>, vector<2304x96xi32>
    %transpose3A = tpu.transpose %get3A_3, [1, 0] : vector<2304x96xf32> -> vector<96x2304xf32>
    %swap3A = arith.constant 0 : index
    %swap3A_32 = arith.constant 0 : index
    %swap3A_33 = arith.constant 0 : index
    %swap3A_34 = vector.load %arg4[%swap3A, %swap3A_32, %swap3A_33] : memref<1x96x2304xf32, #tpu.memory_space<vmem>>, vector<1x96x2304xf32>
    %swap3A_35 = vector.shape_cast %swap3A_34 : vector<1x96x2304xf32> to vector<96x2304xf32>
    %swap3A_36 = vector.shape_cast %transpose3A : vector<96x2304xf32> to vector<1x96x2304xf32>
    tpu.vector_store %arg4[%swap3A, %swap3A_32, %swap3A_33], %swap3A_36 {strides = array<i32>} : memref<1x96x2304xf32, #tpu.memory_space<vmem>>, vector<1x96x2304xf32>,
    %transpose3A_37 = tpu.transpose %select_n3A, [1, 0] : vector<2304x96xi32> -> vector<96x2304xi32>
    %swap3A_38 = arith.constant 0 : index
    %swap3A_39 = arith.constant 0 : index
    %swap3A_40 = arith.constant 0 : index
    %swap3A_41 = vector.load %arg5[%swap3A_38, %swap3A_39, %swap3A_40] : memref<1x96x2304xi32, #tpu.memory_space<vmem>>, vector<1x96x2304xi32>
    %swap3A_42 = vector.shape_cast %swap3A_41 : vector<1x96x2304xi32> to vector<96x2304xi32>
    %swap3A_43 = vector.shape_cast %transpose3A_37 : vector<96x2304xi32> to vector<1x96x2304xi32>
    tpu.vector_store %arg5[%swap3A_38, %swap3A_39, %swap3A_40], %swap3A_43 {strides = array<i32>} : memref<1x96x2304xi32, #tpu.memory_space<vmem>>, vector<1x96x2304xi32>,
    return
  }
  func.func @transform_0(%arg0: i32, %arg1: i32) -> (i32, i32, i32) {
    %c0_i32 = arith.constant 0 : i32
    %c0_i32_0 = arith.constant 0 : i32
    return %arg0, %arg1, %c0_i32 : i32, i32, i32
  }
  func.func @transform_1(%arg0: i32, %arg1: i32) -> (i32, i32, i32) {
    %c0_i32 = arith.constant 0 : i32
    %c0_i32_0 = arith.constant 0 : i32
    return %arg0, %arg1, %c0_i32 : i32, i32, i32
  }
  func.func @transform_2(%arg0: i32, %arg1: i32) -> (i32, i32, i32) {
    %c0_i32 = arith.constant 0 : i32
    %c0_i32_0 = arith.constant 0 : i32
    return %arg0, %c0_i32, %arg1 : i32, i32, i32
  }
  func.func @transform_3(%arg0: i32, %arg1: i32) -> (i32, i32, i32) {
    %c0_i32 = arith.constant 0 : i32
    %c0_i32_0 = arith.constant 0 : i32
    return %arg0, %c0_i32, %arg1 : i32, i32, i32
  }
}

</mosaic_0001>

<sc_bundles>
// kernel: kernel.4.cloned.1.call-start
scs
__scs_entry_jumppad:
0x0: {  	(pc) =	sbr.rel $0x88, $3  }
0x1: {  	(tag) =	ssettag $0x0;
	lr =	simm.s32 $0x1  }
0x2: {  	[smem:$0x3F9F] =	sst lr;
	_ =	strace $0xD0000000  }
0x3: {  	_ = 	snop  }
0x4: {  	_ = 	snop  }
0x5: {  	_ = 	snop  }
0x6: {  	_ = 	snop  }
0x7: {  	_ = 	snop  }
__scs_overlays_trampoline_lowered:
0x8: {  	[smem:$0x3FAE] =	sst s0  }
0x9: {  	[smem:$0x3FAF] =	sst s1  }
0xa: {  	[smem:$0x3FB0] =	sst s2  }
0xb: {  	[smem:$0x3FB1] =	sst s3  }
0xc: {  	[smem:$0x3FB2] =	sst s4  }
0xd: {  	[smem:$0x3FB3] =	sst s5  }
0xe: {  	[smem:$0x3FB4] =	sst s6  }
0xf: {  	[smem:$0x3FB5] =	sst s7  }
0x10: {  	[smem:$0x3FB6] =	sst s8  }
0x11: {  	[smem:$0x3FB7] =	sst s9;
	s0 =	simm.s32 @!p0 $0x0  }
0x12: {  	s1 =	sld [smem:$0x3F9D];
	s0 =	simm.s32 @p0 $0x1  }
0x13: {  	[smem:$0x3FB8] =	sst s0;
	s0 =	simm.s32 @!p1 $0x0  }
0x14: {  	s2 =	sld [smem:$0x3F9C];
	s0 =	simm.s32 @p1 $0x1  }
0x15: {  	[smem:$0x3FB9] =	sst s0;
	s0 =	simm.s32 @!p2 $0x0  }
0x16: {  	s3 =	sld [smem:$0x3FDB];
	s0 =	simm.s32 @p2 $0x1  }
0x17: {  	s4 =	simm.s32 $0x1BF5;
	[smem:$0x3FBB] =	sst s0  }
0x18: {  	s0 =	sld [smem:$0x3F9E];
	_ =	swait.ge [sflag:s4], $0x0  }
0x19: {  	s7 =	sld [smem:$0x3F9F]  }
0x1a: {  	s8 =	sadd.s32 $0xFFFFE003, lr  }
0x1b: {  	s9 =	sadd.s32 $0xFFFFFEF7, lr;
	s5 =	simm.s32 $0xFFFFFFFF;
	p2 =	slt.u32 s8, $0xFFFFF086  }
0x1c: {  	p1 =	slt.u32 s9, $0xF7A;
	s5 =	simm.s32 @!p2 $0x0  }
0x1d: {  	s5 =	simm.s32 @p1 $0x1;
	p0 =	seq.s32 s7, s2  }
0x1e: {  	s7 =	smul.u32 @!p0 $0xF7A, s2;
	p2 =	seq.s32 @!p0 s5, $0x0  }
0x1f: {  	s9 =	smul.u32 $0xF7A, s1;
	s8 =	simm.s32 @!p0 $0x1BF5;
	p2 =	por !p2, p0  }
0x20: {  	[sflag:s8] =	ssyncset.s32 @!p0 $0xFFFFF086;
	s6 =	sadd.s32 @!p0 s3, s7;
	s7 =	simm.s32 @!p0 $0x108  }
0x21: {  	s3 =	sadd.s32 s3, s9;
	s6 =	sadd.s32 @!p0 $0x88, s6;
	s7 =	simm.s32 @p2 $0x1082  }
0x22: {  	[simem:s7], [sflag:s8] =	dma.local @!p0 [hbm:s6], $0xF7A  }
0x23: {  	s9 =	sor.u32 $0xD0000000, s2;
	s6 =	simm.s32 $0x108;
	_ =	swait.ge @!p0 [sflag:s8], $0x0  }
0x24: {  	s3 =	sadd.s32 $0x88, s3;
	s6 =	simm.s32 @!p1 $0x1082;
	[sflag:s4] =	ssyncset.s32 $0xFFFFF086  }
0x25: {  	[simem:s6], [sflag:s4] =	dma.local [hbm:s3], $0xF7A  }
0x26: {  	[smem:$0x3F9F] =	sst s1;
	(tag) =	ssettag s2;
	_ =	strace s9  }
0x27: {  	s1 =	sld [smem:$0x3FAF]  }
0x28: {  	s2 =	sld [smem:$0x3FB0]  }
0x29: {  	s4 =	sld [smem:$0x3FB2]  }
0x2a: {  	p0 =	seq.s32 s5, $0x0;
	s5 =	sld [smem:$0x3FB3]  }
0x2b: {  	s6 =	sld [smem:$0x3FB4]  }
0x2c: {  	s7 =	sld [smem:$0x3FB5]  }
0x2d: {  	s3 =	simm.s32 $0x108;
	s8 =	sld [smem:$0x3FB6]  }
0x2e: {  	s3 =	simm.s32 @!p0 $0x1082;
	s9 =	sld [smem:$0x3FB7]  }
0x2f: {  	lr =	sadd.s32 s0, s3;
	s0 =	sld [smem:$0x3FAE]  }
0x30: {  	s3 =	sld [smem:$0x3FB1]  }
0x31: {  	[smem:$0x3FBA] =	sst s10  }
0x32: {  	s10 =	sld [smem:$0x3FB8];
	_ =	sdelay $0x3  }
0x33: {  	p0 =	seq.s32 s10, $0x1;
	s10 =	sld [smem:$0x3FBA];
	_ =	sdelay $0x3  }
0x34: {  	[smem:$0x3FBA] =	sst s10  }
0x35: {  	s10 =	sld [smem:$0x3FB9];
	_ =	sdelay $0x3  }
0x36: {  	p1 =	seq.s32 s10, $0x1;
	s10 =	sld [smem:$0x3FBA];
	_ =	sdelay $0x3  }
0x37: {  	[smem:$0x3FBA] =	sst s10  }
0x38: {  	s10 =	sld [smem:$0x3FBB]  }
0x39: {  	_ = 	snop;
	(pc) =	sbr.ind lr, $3  }
0x3a: {  	_ = 	snop  }
0x3b: {  	_ = 	snop  }
0x3c: {  	p2 =	seq.s32 s10, $0x1;
	s10 =	sld [smem:$0x3FBA]  }
0x3d: {  	_ =	shalt  }
0x3e: {  	_ =	shalt  }
0x3f: {  	_ =	shalt  }
0x40: {  	_ =	shalt  }
0x41: {  	_ =	shalt  }
0x42: {  	_ =	shalt  }
0x43: {  	_ =	shalt  }
0x44: {  	_ =	shalt  }
0x45: {  	_ =	shalt  }
0x46: {  	_ =	shalt  }
0x47: {  	_ =	shalt  }
0x48: {  	_ =	shalt  }
0x49: {  	_ =	shalt  }
0x4a: {  	_ =	shalt  }
0x4b: {  	_ =	shalt  }
0x4c: {  	_ =	shalt  }
0x4d: {  	_ =	shalt  }
0x4e: {  	_ =	shalt  }
0x4f: {  	_ =	shalt  }
0x50: {  	_ =	shalt  }
0x51: {  	_ =	shalt  }
0x52: {  	_ =	shalt  }
0x53: {  	_ =	shalt  }
0x54: {  	_ =	shalt  }
0x55: {  	_ =	shalt  }
0x56: {  	_ =	shalt  }
0x57: {  	_ =	shalt  }
0x58: {  	_ =	shalt  }
0x59: {  	_ =	shalt  }
0x5a: {  	_ =	shalt  }
0x5b: {  	_ =	shalt  }
0x5c: {  	_ =	shalt  }
0x5d: {  	_ =	shalt  }
0x5e: {  	_ =	shalt  }
0x5f: {  	_ =	shalt  }
0x60: {  	_ =	shalt  }
0x61: {  	_ =	shalt  }
0x62: {  	_ =	shalt  }
0x63: {  	_ =	shalt  }
0x64: {  	_ =	shalt  }
0x65: {  	_ =	shalt  }
0x66: {  	_ =	shalt  }
0x67: {  	_ =	shalt  }
0x68: {  	_ =	shalt  }
0x69: {  	_ =	shalt  }
0x6a: {  	_ =	shalt  }
0x6b: {  	_ =	shalt  }
0x6c: {  	_ =	shalt  }
0x6d: {  	_ =	shalt  }
0x6e: {  	_ =	shalt  }
0x6f: {  	_ =	shalt  }
0x70: {  	_ =	shalt  }
0x71: {  	_ =	shalt  }
0x72: {  	_ =	shalt  }
0x73: {  	_ =	shalt  }
0x74: {  	_ =	shalt  }
0x75: {  	_ =	shalt  }
0x76: {  	_ =	shalt  }
0x77: {  	_ =	shalt  }
0x78: {  	_ =	shalt  }
0x79: {  	_ =	shalt  }
0x7a: {  	_ =	shalt  }
0x7b: {  	_ =	shalt  }
0x7c: {  	_ =	shalt  }
0x7d: {  	_ =	shalt  }
0x7e: {  	_ =	shalt  }
0x7f: {  	_ =	shalt  }
0x80: {  	_ =	shalt  }
0x81: {  	_ =	shalt  }
0x82: {  	_ =	shalt  }
0x83: {  	_ =	shalt  }
0x84: {  	_ =	shalt  }
0x85: {  	_ =	shalt  }
0x86: {  	_ =	shalt  }
0x87: {  	_ =	shalt  }
.Lfunc_end0:
.L_simem_size_0:
called_computation_lowered:
.L_overlay_start_0:
0x88: {  	s2 =	sld [smem:$0x3FD9]  }
0x89: {  	s3 =	sld [smem:$0x3FFE];
	_ =	sdelay $0x1  }
0x8a: {  	s1 =	srdreg.scid  }
0x8b: {  	s0 =	sand.u32 $0x1, s1  }
0x8c: {  	s17 =	sshll.u32 s0, $0xA;
	s2 =	sadd.s32 s3, s2  }
0x8d: {  	s2 =	sadd.s32 s2, s17  }
0x8e: {  	[smem:$0x3FC6] =	sst s2  }
0x8f: {  	_ = 	snop  }
0x90: {  	s2 =	sld [smem:$0x3FD0];
	(tm) =	ssettm $0x1  }
0x91: {  	s18 =	sld [smem:$0x3FFB];
	_ =	sdelay $0x3  }
0x92: {  	_ =	strace s18  }
0x93: {  	s3 =	sld [smem:$0x3FFC];
	_ =	sdelay $0x3  }
0x94: {  	_ =	strace s3  }
0x95: {  	s3 =	sld [smem:$0x3FFD];
	_ =	sdelay $0x3  }
0x96: {  	_ =	strace s3  }
0x97: {  	_ =	strace $0x8FFFFFFF  }
0x98: {  	s19 =	sld [smem:$0x3FDB];
	_ =	sdelay $0x1  }
0x99: {  	s4 =	simm.s32 $_scs_section_size  }
0x9a: {  	s5 =	simm.s32 $_size__tile_overlayer_lowered;
	s6 =	simm.s32 $_tile_overlayer_lowered  }
0x9b: {  	s22 =	simm.s32 $0x1BFF;
	s21 =	sshll.u32 s6, $0x1;
	s3 =	sadd.s32 s4, s19  }
0x9c: {  	s7 =	simm.s32 $0x0;
	s20 =	sshll.u32 s5, $0x1;
	s5 =	sadd.s32 s21, s3  }
0x9d: {  	[timem:s7], [sflag:s22] =	dma.local [hbm:s5], s20  }
0x9e: {  	_ =	swait.ge [sflag:s22], s20  }
0x9f: {  	s4 =	ssub.s32 $0x0, s20;
	[sflag:s22] =	ssyncset.done $0x0  }
0xa0: {  	[sflag:s22] =	ssyncadd.s32 s4;
	_ =	sdelay $0x1  }
0xa1: {  	s23 =	simm.s32 $0x1B8B  }
0xa2: {  	_ =	swait.ge [sflag:s23], $0x1  }
0xa3: {  	[sflag:s23] =	ssyncset.done $0x0  }
0xa4: {  	s25 =	simm.s32 $0x1B8E;
	s24 =	sld [smem:$0x3FFE];
	[sflag:s23] =	ssyncadd.s32 $0xFFFFFFFF  }
0xa5: {  	s26 =	simm.s32 $execute0_lowered;
	[smem:$0x3FD2] =	sst s25  }
0xa6: {  	s5 =	sshll.u32 s26, $0x1;
	_ =	strace $0x80000046;
	[dreg:$0x1] =	wrdreg $0xFFFFFFFF  }
0xa7: {  	s28 =	simm.s32 $_size_execute0_lowered;
	s3 =	sadd.s32 s3, s5;
	[dreg:$0x0] =	wrdreg $0x0  }
0xa8: {  	s5 =	sshll.u32 s28, $0x1;
	[dreg:$0x2] =	wrdreg s3  }
0xa9: {  	[dreg:$0x3] =	wrdreg s5  }
0xaa: {  	[dreg:$0x4] =	wrdreg $0xC0  }
0xab: {  	_ =	task [dreg:s7], $0x5FFFF  }
0xac: {  	[dreg:$0x1] =	wrdreg $0xFFFFFFFF  }
0xad: {  	[dreg:$0x0] =	wrdreg $0x60  }
0xae: {  	[dreg:$0x2] =	wrdreg s24  }
0xaf: {  	[dreg:$0x3] =	wrdreg s2  }
0xb0: {  	[dreg:$0x4] =	wrdreg $0x9  }
0xb1: {  	_ =	task.clear_ibuf [dreg:s7], $0x5FFFF;
	_ =	strace $0x90000046  }
0xb2: {  	s29 =	simm.s32 $0x9;
	_ =	strace $0x80000048  }
0xb3: {  	_ =	swait.ge [sflag:s29], $0x1  }
0xb4: {  	[sflag:s29] =	ssyncadd.s32 $0xFFFFFFFF  }
0xb5: {  	_ =	strace $0x90000048  }
0xb6: {  	_ =	sfence  }
0xb7: {  	s30 =	sld [smem:$0x0];
	_ =	sdelay $0x2  }
0xb8: {  	s31 =	sshll.u32 s1, $0xD;
	s1 =	sshrl.u32 s1, $0x2  }
0xb9: {  	s3 =	sand.u32 $0x4000, s31;
	s1 =	sadd.s32 s1, s30  }
0xba: {  	s0 =	sor.u32 s3, s0;
	s1 =	sshll.u32 s1, $0x11  }
0xbb: {  	s0 =	sor.u32 s1, s0  }
0xbc: {  	s0 =	sadd.s32 $0x8F2B, s0  }
0xbd: {  	[sflag:s0] =	ssyncadd.remote.s32 $0x1  }
0xbe: {  	_ =	sfence.sel $0xFFFF  }
0xbf: {  	[dreg:$0x0] =	wrdreg $0xFFFFFFFF;
	(pc) =	sbr.abs _section_cstart, $3  }
0xc0: {  	[dreg:$0x1] =	wrdreg $0xFFFFFFFF  }
0xc1: {  	_ =	task.clear_ibuf [dreg:s7], $0x2FFFF;
	_ =	strace $0x9FFFFFFF  }
0xc2: {  	(tm) =	ssettm $0x7FFFFFFF  }
0xc3: {  	_ =	shalt  }
tec
execute0_lowered:
.L_overlay_start_1:
0x0: {  	(tag) =	ssettag $0x1  }
0x1: {  	s5 =	rddreg [dreg:$0x0]  }
0x2: {  	s1 =	rddreg [dreg:$0x1]  }
0x3: {  	s0 =	rddreg [dreg:$0x2];
	s3 =	simm.s32 $0x0  }
0x4: {  	s4 =	srdreg.scid;
	s2 =	stileid.u32;
	s13 =	simm.s32 $0x1  }
0x5: {  	s14 =	simm.s32 $0x12000;
	s15 =	simm.s32 $0x2;
	s16 =	simm.s32 $0x0  }
0x6: {  	[smem:$0x7FF] =	sst s3;
	s6 =	sand.u32 $0x1, s4;
	s8 =	smul.u32 $0x18, s2  }
0x7: {  	s4 =	sadd.s32 $0x1B0600, s5;
	s11 =	sshll.u32 s2, $0x1;
	s12 =	smul.u32 $0xC00, s2  }
0x8: {  	s5 =	sadd.s32 $0x600, s5;
	_ =	strace $0x80000047;
	s9 =	smul.u32 $0xC, s6  }
0x9: {  	s7 =	ssub.s32 $0x2, s6;
	s30 =	sor.u32 s6, s11;
	s31 =	smul.u32 $0x600, s6  }
0xa: {  	s11 =	simm.s32 $0x400;
	s10 =	sshrl.u32 s7, $0x1;
	s6 =	smul.u32 $0xC, s30  }
0xb: {  	s7 =	ssub.s32 s7, s10;
	s8 =	sadd.s32 s9, s8;
	s9 =	sadd.s32 s31, s12  }
0xc: {  	v0 =	vimm.f32 $0.0e+00;
	s10 =	simm.s32 $0x80;
	s12 =	simm.s32 $0x9000;
	s7 =	smax.u32 s7, $0x1  }
.LBB2_1:
0xd: {  	s17 =	smov.u32 s9;
	s18 =	smov.u32 s8;
	s19 =	simm.s32 $0x0  }
.LBB2_2:
0xe: {  	s20 =	sadd.s32 s6, s19  }
0xf: {  	s21 =	smulhi.u32 $0xAAAAAAAB, s20;
	_ =	sdelay $0x1  }
0x10: {  	s21 =	sshrl.u32 s21, $0x6  }
0x11: {  	s22 =	smul.u32 $0x60, s21;
	_ =	sdelay $0x1  }
0x12: {  	s23 =	smulhi.u32 $0xAAAAAAAB, s18;
	s20 =	ssub.s32 s20, s22  }
0x13: {  	s21 =	smul.u32 $0x360000, s21;
	s22 =	sshrl.u32 s20, $0x3  }
0x14: {  	s22 =	smul.u32 $0x48000, s22  }
0x15: {  	s23 =	sshrl.u32 s23, $0x6;
	s20 =	sshll.u32 s20, $0x7  }
0x16: {  	s24 =	smul.u32 $0x60, s23;
	s20 =	sand.u32 $0x380, s20;
	s21 =	sadd.s32 s21, s22  }
0x17: {  	s20 =	sor.u32 s20, s21  }
0x18: {  	s25 =	ssub.s32 s18, s24;
	s20 =	sshrl.u32 s20, $0x3  }
0x19: {  	s28 =	smul.u32 $0xD80000, s23;
	s21 =	sshrl.u32 s25, $0x3;
	s26 =	sadd.s32 s4, s20  }
0x1a: {  	[tilespmem:s3], [sflag:$0x1] =	stream.strided.gather [hbm4b:s26+s10], $0x9000, s11, s10, $0x38;
	[tilespmem:$0x1E000] =	vst v63  }
0x1b: {  	s23 =	simm.s32 $0x12040;
	s29 =	smul.u32 $0xC00, s21;
	s20 =	sadd.s32 s5, s20  }
0x1c: {  	[tilespmem:s12], [sflag:$0x1] =	stream.strided.gather [hbm4b:s20+s10], $0x9000, s11, s10, $0x38;
	[tilespmem:$0x1E000] =	vst v63  }
0x1d: {  	[tilespmem:s23+$0xFFFFFFC0] =	vst v0  }
0x1e: {  	s30 =	sand.u32 $0x380, s17;
	s20 =	sor.u32 s29, s28;
	[tilespmem:s23+$0x30] =	vst v0  }
0x1f: {  	s21 =	sor.u32 s30, s20;
	[tilespmem:s23+$0x20] =	vst v0  }
0x20: {  	[tilespmem:s23+$0x10] =	vst v0;
	s20 =	sadd.s32 $0x900000, s21  }
0x21: {  	[tilespmem:s23+$0x0] =	vst v0;
	s31 =	sadd.s32 $0x480000, s21;
	s20 =	sshrl.u32 s20, $0x3  }
0x22: {  	[tilespmem:s23+$0xFFFFFFF0] =	vst v0;
	s24 =	sshrl.u32 s21, $0x3;
	s22 =	sshrl.u32 s31, $0x3;
	s20 =	sadd.s32 s20, s1  }
0x23: {  	[tilespmem:s23+$0xFFFFFFE0] =	vst v0;
	s21 =	sadd.s32 s22, s1;
	s22 =	sadd.s32 s24, s1;
	s24 =	simm.s32 $0x0  }
.LBB2_3:
0x24: {  	s24 =	sadd.s32 $0x8, s24;
	[tilespmem:s23+$0xFFFFFFD0] =	vst v0;
	s23 =	sadd.s32 $0x80, s23  }
0x25: {  	[tilespmem:s23+$0xFFFFFFC0] =	vst v0;
	p0 =	slt.u32 s24, $0xBF8  }
0x26: {  	[tilespmem:s23+$0x30] =	vst v0  }
.Ltmp0:
0x27: {  	[tilespmem:s23+$0x20] =	vst v0;
	(pc) =	sbr.rel @p0 .LBB2_3-.Ltmp0, $4  }
0x28: {  	[tilespmem:s23+$0x10] =	vst v0  }
0x29: {  	[tilespmem:s23+$0x0] =	vst v0  }
0x2a: {  	[tilespmem:s23+$0xFFFFFFF0] =	vst v0  }
0x2b: {  	[tilespmem:s23+$0xFFFFFFE0] =	vst v0  }
0x2c: {  	[tilespmem:s23+$0xFFFFFFD0] =	vst v0  }
0x2d: {  	_ =	swait.ge [sflag:s13], $0x9000  }
0x2e: {  	[sflag:s13] =	ssyncset.done $0x0  }
0x2f: {  	[sflag:s13] =	ssyncadd.s32 $0xFFFF7000  }
0x30: {  	_ =	swait.ge [sflag:s13], $0x9000  }
0x31: {  	[sflag:s13] =	ssyncset.done $0x0  }
0x32: {  	s23 =	simm.s32 $0x40;
	[sflag:s13] =	ssyncadd.s32 $0xFFFF7000  }
0x33: {  	v1 =	vld [tilespmem:s23+$0xFFFFFFC0]  }
0x34: {  	v2 =	vld [tilespmem:s23+$0xFFFFFFD0]  }
0x35: {  	v3 =	vld [tilespmem:s23+$0xFFFFFFE0]  }
0x36: {  	v4 =	vld [tilespmem:s23+$0xFFFFFFF0];
	_ =	sdelay $0x1  }
0x37: {  	s24 =	simm.s32 $0x9040;
	vm0 =	vlt.u32 v1, $0xC000  }
0x38: {  	v5 =	vld [tilespmem:s24+$0xFFFFFFC0];
	vm1 =	vlt.u32 v2, $0xC000  }
0x39: {  	v6 =	vld [tilespmem:s24+$0xFFFFFFD0];
	vm2 =	vlt.u32 v3, $0xC000  }
0x3a: {  	v7 =	vld [tilespmem:s24+$0xFFFFFFE0];
	vm3 =	vlt.u32 v4, $0xC000  }
0x3b: {  	v8 =	vld [tilespmem:s24+$0xFFFFFFF0];
	_ =	sdelay $0x1  }
0x3c: {  	[tilespmem:v1+s14+$0x0] =	vst.idx.add.f32.msk vm0, v5  }
0x3d: {  	[tilespmem:v2+s14+$0x0] =	vst.idx.add.f32.msk vm1, v6  }
0x3e: {  	[tilespmem:v3+s14+$0x0] =	vst.idx.add.f32.msk vm2, v7  }
0x3f: {  	[tilespmem:v4+s14+$0x0] =	vst.idx.add.f32.msk vm3, v8  }
0x40: {  	v3 =	vld [tilespmem:s23+$0x0];
	_ =	sdelay $0x2  }
0x41: {  	v4 =	vld [tilespmem:s23+$0x10]  }
0x42: {  	v5 =	vld [tilespmem:s23+$0x20]  }
0x43: {  	v1 =	vld [tilespmem:s23+$0x30];
	vm0 =	vlt.u32 v3, $0xC000  }
0x44: {  	v6 =	vld [tilespmem:s24+$0x0];
	_ =	sdelay $0x1  }
0x45: {  	v7 =	vld [tilespmem:s24+$0x10]  }
0x46: {  	v8 =	vld [tilespmem:s24+$0x20];
	vm1 =	vlt.u32 v4, $0xC000  }
0x47: {  	v2 =	vld [tilespmem:s24+$0x30];
	vm2 =	vlt.u32 v5, $0xC000  }
0x48: {  	[tilespmem:v3+s14+$0x0] =	vst.idx.add.f32.msk vm0, v6;
	vm0 =	vlt.u32 v1, $0xC000;
	_ =	sdelay $0x3  }
0x49: {  	[tilespmem:v4+s14+$0x0] =	vst.idx.add.f32.msk vm1, v7  }
0x4a: {  	s25 =	simm.s32 $0x0;
	[tilespmem:v5+s14+$0x0] =	vst.idx.add.f32.msk vm2, v8  }
.LBB2_5:
0x4b: {  	s25 =	sadd.s32 $0x2, s25;
	[tilespmem:v1+s14+$0x0] =	vst.idx.add.f32.msk vm0, v2;
	s23 =	sadd.s32 $0x80, s23;
	s24 =	sadd.s32 $0x80, s24  }
0x4c: {  	v1 =	vld [tilespmem:s23+$0xFFFFFFC0];
	p0 =	slt.u32 s25, $0x23E  }
0x4d: {  	v2 =	vld [tilespmem:s23+$0xFFFFFFD0]  }
0x4e: {  	v3 =	vld [tilespmem:s23+$0xFFFFFFE0]  }
0x4f: {  	v4 =	vld [tilespmem:s23+$0xFFFFFFF0];
	_ =	sdelay $0x1  }
0x50: {  	vm0 =	vlt.u32 v1, $0xC000  }
0x51: {  	v5 =	vld [tilespmem:s24+$0xFFFFFFC0];
	vm1 =	vlt.u32 v2, $0xC000  }
0x52: {  	v6 =	vld [tilespmem:s24+$0xFFFFFFD0];
	vm2 =	vlt.u32 v3, $0xC000  }
0x53: {  	v7 =	vld [tilespmem:s24+$0xFFFFFFE0];
	vm3 =	vlt.u32 v4, $0xC000  }
0x54: {  	v8 =	vld [tilespmem:s24+$0xFFFFFFF0];
	_ =	sdelay $0x1  }
0x55: {  	[tilespmem:v1+s14+$0x0] =	vst.idx.add.f32.msk vm0, v5  }
0x56: {  	[tilespmem:v2+s14+$0x0] =	vst.idx.add.f32.msk vm1, v6  }
0x57: {  	[tilespmem:v3+s14+$0x0] =	vst.idx.add.f32.msk vm2, v7  }
0x58: {  	[tilespmem:v4+s14+$0x0] =	vst.idx.add.f32.msk vm3, v8  }
0x59: {  	v3 =	vld [tilespmem:s23+$0x0]  }
0x5a: {  	v4 =	vld [tilespmem:s23+$0x10]  }
0x5b: {  	v5 =	vld [tilespmem:s23+$0x20]  }
0x5c: {  	v1 =	vld [tilespmem:s23+$0x30];
	_ =	sdelay $0x1  }
0x5d: {  	vm1 =	vlt.u32 v3, $0xC000  }
0x5e: {  	v6 =	vld [tilespmem:s24+$0x0];
	vm2 =	vlt.u32 v4, $0xC000  }
0x5f: {  	v7 =	vld [tilespmem:s24+$0x10];
	vm3 =	vlt.u32 v5, $0xC000  }
0x60: {  	v8 =	vld [tilespmem:s24+$0x20];
	vm0 =	vlt.u32 v1, $0xC000  }
.Ltmp1:
0x61: {  	v2 =	vld [tilespmem:s24+$0x30];
	(pc) =	sbr.rel @p0 .LBB2_5-.Ltmp1, $4  }
0x62: {  	_ = 	snop  }
0x63: {  	[tilespmem:v3+s14+$0x0] =	vst.idx.add.f32.msk vm1, v6  }
0x64: {  	[tilespmem:v4+s14+$0x0] =	vst.idx.add.f32.msk vm2, v7  }
0x65: {  	[tilespmem:v5+s14+$0x0] =	vst.idx.add.f32.msk vm3, v8  }
0x66: {  	_ =	sdelay $0x4  }
0x67: {  	[tilespmem:v1+s14+$0x0] =	vst.idx.add.f32.msk vm0, v2;
	s24 =	simm.s32 $0x12000;
	s23 =	simm.s32 $0x80  }
0x68: {  	[hbm4b:s22+s23] =	stream.strided.scatter [tilespmem:s24], [sflag:$0x2], $0x180, s11, s23, $0x38;
	[tilespmem:$0x1E000] =	vst v63  }
0x69: {  	s24 =	simm.s32 $0x600  }
.LBB2_7:
0x6a: {  	p0 =	sne.s32 s24, $0x2FA00  }
.Ltmp2:
0x6b: {  	_ = 	snop;
	(pc) =	sbr.rel @p0 .LBB2_7-.Ltmp2, $4  }
0x6c: {  	_ = 	snop  }
0x6d: {  	s25 =	sshra.s32 s24, $0x2;
	s24 =	sadd.s32 $0x600, s24  }
0x6e: {  	s22 =	sadd.s32 $0x1200, s22;
	s25 =	sadd.s32 $0x12000, s25  }
0x6f: {  	[hbm4b:s22+s23] =	stream.strided.scatter [tilespmem:s25], [sflag:$0x2], $0x180, s11, s23, $0x38;
	[tilespmem:$0x1E000] =	vst v63  }
.LBB2_8:
0x70: {  	p0 =	sne.s32 s23, $0x1  }
.Ltmp3:
0x71: {  	_ = 	snop;
	(pc) =	sbr.rel @p0 .LBB2_8-.Ltmp3, $4  }
0x72: {  	_ = 	snop  }
0x73: {  	_ =	swait.ge [sflag:s15], $0x180  }
0x74: {  	[sflag:s15] =	ssyncset.done $0x0  }
0x75: {  	s23 =	sadd.s32 $0xFFFFFFFF, s23;
	[sflag:s15] =	ssyncadd.s32 $0xFFFFFE80  }
0x76: {  	s24 =	simm.s32 $0x12040  }
0x77: {  	[tilespmem:s24+$0xFFFFFFC0] =	vst v0  }
0x78: {  	[tilespmem:s24+$0x30] =	vst v0  }
0x79: {  	[tilespmem:s24+$0x20] =	vst v0  }
0x7a: {  	[tilespmem:s24+$0x10] =	vst v0  }
0x7b: {  	[tilespmem:s24+$0x0] =	vst v0  }
0x7c: {  	[tilespmem:s24+$0xFFFFFFF0] =	vst v0  }
0x7d: {  	s25 =	simm.s32 $0x0;
	[tilespmem:s24+$0xFFFFFFE0] =	vst v0  }
.LBB2_10:
0x7e: {  	s25 =	sadd.s32 $0x8, s25;
	[tilespmem:s24+$0xFFFFFFD0] =	vst v0;
	s24 =	sadd.s32 $0x80, s24  }
0x7f: {  	[tilespmem:s24+$0xFFFFFFC0] =	vst v0;
	p0 =	slt.u32 s25, $0xBF8  }
0x80: {  	[tilespmem:s24+$0x30] =	vst v0  }
.Ltmp4:
0x81: {  	[tilespmem:s24+$0x20] =	vst v0;
	(pc) =	sbr.rel @p0 .LBB2_10-.Ltmp4, $4  }
0x82: {  	[tilespmem:s24+$0x10] =	vst v0  }
0x83: {  	[tilespmem:s24+$0x0] =	vst v0  }
0x84: {  	[tilespmem:s24+$0xFFFFFFF0] =	vst v0  }
0x85: {  	s22 =	simm.s32 $0x40;
	s23 =	simm.s32 $0x9040;
	[tilespmem:s24+$0xFFFFFFE0] =	vst v0  }
0x86: {  	[tilespmem:s24+$0xFFFFFFD0] =	vst v0;
	s24 =	simm.s32 $0xFFFFFFFE  }
.LBB2_12:
0x87: {  	v1 =	vld [tilespmem:s22+$0xFFFFFFC0]  }
0x88: {  	v2 =	vld [tilespmem:s22+$0xFFFFFFD0]  }
0x89: {  	v3 =	vld [tilespmem:s22+$0xFFFFFFE0]  }
0x8a: {  	v4 =	vld [tilespmem:s22+$0xFFFFFFF0];
	_ =	sdelay $0x1  }
0x8b: {  	v1 =	vadd.s32 $0xFFFF4000, v1  }
0x8c: {  	v2 =	vadd.s32 $0xFFFF4000, v2;
	vm0 =	vlt.u32 v1, $0xC000  }
0x8d: {  	v5 =	vld [tilespmem:s23+$0xFFFFFFC0];
	v3 =	vadd.s32 $0xFFFF4000, v3;
	vm1 =	vlt.u32 v2, $0xC000  }
0x8e: {  	v6 =	vld [tilespmem:s23+$0xFFFFFFD0];
	v4 =	vadd.s32 $0xFFFF4000, v4;
	vm2 =	vlt.u32 v3, $0xC000  }
0x8f: {  	v7 =	vld [tilespmem:s23+$0xFFFFFFE0];
	vm3 =	vlt.u32 v4, $0xC000  }
0x90: {  	v8 =	vld [tilespmem:s23+$0xFFFFFFF0];
	_ =	sdelay $0x1  }
0x91: {  	[tilespmem:v1+s14+$0x0] =	vst.idx.add.f32.msk vm0, v5  }
0x92: {  	[tilespmem:v2+s14+$0x0] =	vst.idx.add.f32.msk vm1, v6  }
0x93: {  	[tilespmem:v3+s14+$0x0] =	vst.idx.add.f32.msk vm2, v7  }
0x94: {  	[tilespmem:v4+s14+$0x0] =	vst.idx.add.f32.msk vm3, v8  }
0x95: {  	v1 =	vld [tilespmem:s22+$0x0]  }
0x96: {  	v2 =	vld [tilespmem:s22+$0x10]  }
0x97: {  	v3 =	vld [tilespmem:s22+$0x20]  }
0x98: {  	v4 =	vld [tilespmem:s22+$0x30];
	_ =	sdelay $0x1  }
0x99: {  	v1 =	vadd.s32 $0xFFFF4000, v1  }
0x9a: {  	v2 =	vadd.s32 $0xFFFF4000, v2;
	vm12 =	vlt.u32 v1, $0xC000  }
0x9b: {  	v5 =	vld [tilespmem:s23+$0x0];
	v3 =	vadd.s32 $0xFFFF4000, v3;
	vm13 =	vlt.u32 v2, $0xC000  }
0x9c: {  	v6 =	vld [tilespmem:s23+$0x10];
	v4 =	vadd.s32 $0xFFFF4000, v4;
	vm14 =	vlt.u32 v3, $0xC000  }
0x9d: {  	s24 =	sadd.s32 $0x2, s24;
	v7 =	vld [tilespmem:s23+$0x20];
	vm15 =	vlt.u32 v4, $0xC000  }
0x9e: {  	p0 =	slt.u32 s24, $0x23E;
	v8 =	vld [tilespmem:s23+$0x30]  }
.Ltmp5:
0x9f: {  	_ = 	snop;
	(pc) =	sbr.rel @p0 .LBB2_12-.Ltmp5, $4  }
0xa0: {  	[tilespmem:v1+s14+$0x0] =	vst.idx.add.f32.msk vm12, v5  }
0xa1: {  	[tilespmem:v2+s14+$0x0] =	vst.idx.add.f32.msk vm13, v6  }
0xa2: {  	[tilespmem:v3+s14+$0x0] =	vst.idx.add.f32.msk vm14, v7  }
0xa3: {  	s25 =	simm.s32 $0x0;
	s22 =	sadd.s32 $0x80, s22;
	s23 =	sadd.s32 $0x80, s23;
	[tilespmem:v4+s14+$0x0] =	vst.idx.add.f32.msk vm15, v8  }
0xa4: {  	s22 =	sshra.s32 s25, $0x2  }
0xa5: {  	s23 =	sadd.s32 $0x12000, s22;
	s22 =	simm.s32 $0x80  }
0xa6: {  	[hbm4b:s21+s22] =	stream.strided.scatter [tilespmem:s23], [sflag:$0x2], $0x180, s11, s22, $0x38;
	[tilespmem:$0x1E000] =	vst v63  }
0xa7: {  	s23 =	sadd.s32 $0x600, s25  }
.LBB2_14:
0xa8: {  	p0 =	sne.s32 s23, $0x2FA00  }
.Ltmp6:
0xa9: {  	_ = 	snop;
	(pc) =	sbr.rel @p0 .LBB2_14-.Ltmp6, $4  }
0xaa: {  	_ = 	snop  }
0xab: {  	s24 =	sshra.s32 s23, $0x2;
	s23 =	sadd.s32 $0x600, s23  }
0xac: {  	s21 =	sadd.s32 $0x1200, s21;
	s24 =	sadd.s32 $0x12000, s24  }
0xad: {  	[hbm4b:s21+s22] =	stream.strided.scatter [tilespmem:s24], [sflag:$0x2], $0x180, s11, s22, $0x38;
	[tilespmem:$0x1E000] =	vst v63  }
.LBB2_15:
0xae: {  	p0 =	sne.s32 s22, $0x1  }
.Ltmp7:
0xaf: {  	_ = 	snop;
	(pc) =	sbr.rel @p0 .LBB2_15-.Ltmp7, $4  }
0xb0: {  	_ = 	snop  }
0xb1: {  	_ =	swait.ge [sflag:s15], $0x180  }
0xb2: {  	[sflag:s15] =	ssyncset.done $0x0  }
0xb3: {  	s22 =	sadd.s32 $0xFFFFFFFF, s22;
	[sflag:s15] =	ssyncadd.s32 $0xFFFFFE80  }
0xb4: {  	s23 =	simm.s32 $0x12040  }
0xb5: {  	[tilespmem:s23+$0xFFFFFFC0] =	vst v0  }
0xb6: {  	[tilespmem:s23+$0x30] =	vst v0  }
0xb7: {  	[tilespmem:s23+$0x20] =	vst v0  }
0xb8: {  	[tilespmem:s23+$0x10] =	vst v0  }
0xb9: {  	[tilespmem:s23+$0x0] =	vst v0  }
0xba: {  	[tilespmem:s23+$0xFFFFFFF0] =	vst v0  }
0xbb: {  	s24 =	simm.s32 $0x0;
	[tilespmem:s23+$0xFFFFFFE0] =	vst v0  }
.LBB2_17:
0xbc: {  	s24 =	sadd.s32 $0x8, s24;
	[tilespmem:s23+$0xFFFFFFD0] =	vst v0;
	s23 =	sadd.s32 $0x80, s23  }
0xbd: {  	[tilespmem:s23+$0xFFFFFFC0] =	vst v0;
	p0 =	slt.u32 s24, $0xBF8  }
0xbe: {  	[tilespmem:s23+$0x30] =	vst v0  }
.Ltmp8:
0xbf: {  	[tilespmem:s23+$0x20] =	vst v0;
	(pc) =	sbr.rel @p0 .LBB2_17-.Ltmp8, $4  }
0xc0: {  	[tilespmem:s23+$0x10] =	vst v0  }
0xc1: {  	[tilespmem:s23+$0x0] =	vst v0  }
0xc2: {  	[tilespmem:s23+$0xFFFFFFF0] =	vst v0  }
0xc3: {  	s21 =	simm.s32 $0x40;
	s22 =	simm.s32 $0x9040;
	[tilespmem:s23+$0xFFFFFFE0] =	vst v0  }
0xc4: {  	[tilespmem:s23+$0xFFFFFFD0] =	vst v0;
	s23 =	simm.s32 $0xFFFFFFFE  }
.LBB2_19:
0xc5: {  	v1 =	vld [tilespmem:s21+$0xFFFFFFC0]  }
0xc6: {  	v2 =	vld [tilespmem:s21+$0xFFFFFFD0]  }
0xc7: {  	v3 =	vld [tilespmem:s21+$0xFFFFFFE0]  }
0xc8: {  	v4 =	vld [tilespmem:s21+$0xFFFFFFF0];
	_ =	sdelay $0x1  }
0xc9: {  	v1 =	vadd.s32 $0xFFFE8000, v1  }
0xca: {  	v2 =	vadd.s32 $0xFFFE8000, v2;
	vm0 =	vlt.u32 v1, $0xC000  }
0xcb: {  	v5 =	vld [tilespmem:s22+$0xFFFFFFC0];
	v3 =	vadd.s32 $0xFFFE8000, v3;
	vm1 =	vlt.u32 v2, $0xC000  }
0xcc: {  	v6 =	vld [tilespmem:s22+$0xFFFFFFD0];
	v4 =	vadd.s32 $0xFFFE8000, v4;
	vm2 =	vlt.u32 v3, $0xC000  }
0xcd: {  	v7 =	vld [tilespmem:s22+$0xFFFFFFE0];
	vm3 =	vlt.u32 v4, $0xC000  }
0xce: {  	v8 =	vld [tilespmem:s22+$0xFFFFFFF0];
	_ =	sdelay $0x1  }
0xcf: {  	[tilespmem:v1+s14+$0x0] =	vst.idx.add.f32.msk vm0, v5  }
0xd0: {  	[tilespmem:v2+s14+$0x0] =	vst.idx.add.f32.msk vm1, v6  }
0xd1: {  	[tilespmem:v3+s14+$0x0] =	vst.idx.add.f32.msk vm2, v7  }
0xd2: {  	[tilespmem:v4+s14+$0x0] =	vst.idx.add.f32.msk vm3, v8  }
0xd3: {  	v1 =	vld [tilespmem:s21+$0x0]  }
0xd4: {  	v2 =	vld [tilespmem:s21+$0x10]  }
0xd5: {  	v3 =	vld [tilespmem:s21+$0x20]  }
0xd6: {  	v4 =	vld [tilespmem:s21+$0x30];
	_ =	sdelay $0x1  }
0xd7: {  	v1 =	vadd.s32 $0xFFFE8000, v1  }
0xd8: {  	v2 =	vadd.s32 $0xFFFE8000, v2;
	vm12 =	vlt.u32 v1, $0xC000  }
0xd9: {  	v5 =	vld [tilespmem:s22+$0x0];
	v3 =	vadd.s32 $0xFFFE8000, v3;
	vm13 =	vlt.u32 v2, $0xC000  }
0xda: {  	v6 =	vld [tilespmem:s22+$0x10];
	v4 =	vadd.s32 $0xFFFE8000, v4;
	vm14 =	vlt.u32 v3, $0xC000  }
0xdb: {  	s23 =	sadd.s32 $0x2, s23;
	v7 =	vld [tilespmem:s22+$0x20];
	vm15 =	vlt.u32 v4, $0xC000  }
0xdc: {  	p0 =	slt.u32 s23, $0x23E;
	v8 =	vld [tilespmem:s22+$0x30]  }
.Ltmp9:
0xdd: {  	_ = 	snop;
	(pc) =	sbr.rel @p0 .LBB2_19-.Ltmp9, $4  }
0xde: {  	[tilespmem:v1+s14+$0x0] =	vst.idx.add.f32.msk vm12, v5  }
0xdf: {  	[tilespmem:v2+s14+$0x0] =	vst.idx.add.f32.msk vm13, v6  }
0xe0: {  	[tilespmem:v3+s14+$0x0] =	vst.idx.add.f32.msk vm14, v7  }
0xe1: {  	s24 =	simm.s32 $0x0;
	s21 =	sadd.s32 $0x80, s21;
	s22 =	sadd.s32 $0x80, s22;
	[tilespmem:v4+s14+$0x0] =	vst.idx.add.f32.msk vm15, v8  }
0xe2: {  	s21 =	sshra.s32 s24, $0x2  }
0xe3: {  	s22 =	sadd.s32 $0x12000, s21;
	s21 =	simm.s32 $0x80  }
0xe4: {  	[hbm4b:s20+s21] =	stream.strided.scatter [tilespmem:s22], [sflag:$0x2], $0x180, s11, s21, $0x38;
	[tilespmem:$0x1E000] =	vst v63  }
0xe5: {  	s22 =	sadd.s32 $0x600, s24  }
.LBB2_21:
0xe6: {  	p0 =	sne.s32 s22, $0x2FA00  }
.Ltmp10:
0xe7: {  	_ = 	snop;
	(pc) =	sbr.rel @p0 .LBB2_21-.Ltmp10, $4  }
0xe8: {  	_ = 	snop  }
0xe9: {  	s23 =	sshra.s32 s22, $0x2;
	s22 =	sadd.s32 $0x600, s22  }
0xea: {  	s20 =	sadd.s32 $0x1200, s20;
	s23 =	sadd.s32 $0x12000, s23  }
0xeb: {  	[hbm4b:s20+s21] =	stream.strided.scatter [tilespmem:s23], [sflag:$0x2], $0x180, s11, s21, $0x38;
	[tilespmem:$0x1E000] =	vst v63  }
0xec: {  	_ =	swait.ge [sflag:s15], $0x180  }
0xed: {  	s20 =	simm.s32 $0x7F;
	[sflag:s15] =	ssyncset.done $0x0  }
.LBB2_23:
0xee: {  	p0 =	sne.s32 s20, $0x1;
	s20 =	sadd.s32 $0xFFFFFFFF, s20;
	[sflag:s15] =	ssyncadd.s32 $0xFFFFFE80  }
.Ltmp11:
0xef: {  	(pc) =	sbr.rel @p0 .LBB2_23-.Ltmp11, $3  }
0xf0: {  	_ =	sdelay $0x1  }
0xf1: {  	_ =	swait.ge [sflag:s15], $0x180  }
0xf2: {  	[sflag:s15] =	ssyncset.done $0x0  }
0xf3: {  	s19 =	sadd.s32 $0x1, s19  }
0xf4: {  	p0 =	sne.s32 s19, $0xC  }
.Ltmp12:
0xf5: {  	_ = 	snop;
	(pc) =	sbr.rel @p0 .LBB2_2-.Ltmp12, $2  }
0xf6: {  	_ =	sdelay $0x2  }
0xf7: {  	[sflag:s15] =	ssyncadd.s32 $0xFFFFFE80;
	s18 =	sadd.s32 $0x1, s18;
	s17 =	sadd.s32 $0x80, s17  }
0xf8: {  	s16 =	sadd.s32 $0x1, s16  }
0xf9: {  	p0 =	sne.s32 s16, s7  }
.Ltmp13:
0xfa: {  	_ = 	snop;
	(pc) =	sbr.rel @p0 .LBB2_1-.Ltmp13, $1  }
0xfb: {  	_ =	sdelay $0x3  }
0xfc: {  	_ =	sfence.sel $0x180000  }
0xfd: {  	[bflag:$0x0] =	sbarrier.arrive $0xFFFF  }
0xfe: {  	p0 =	sne.s32 s2, $0x0;
	_ =	strace $0x90000047  }
0xff: {  	s0 =	sadd.s32 @!p0 $0x100000, s0;
	[bflag:$0x2] =	sbarrier.arrive $0xFFFF  }
0x100: {  	[sflag:s0] =	ssyncadd.tile.s32 @!p0 $0x1;
	_ =	shalt  }
.Lfunc_end2:
_tile_overlayer_lowered:
.L_overlay_start_2:
0x101: {  	(tag) =	ssettag $0x2  }
0x102: {  	s0 =	rddreg [dreg:$0x0];
	s2 =	stileid.u32  }
0x103: {  	s1 =	rddreg [dreg:$0x1];
	p0 =	sne.s32 s2, $0x0  }
0x104: {  	s3 =	rddreg [dreg:$0x2];
	[bflag:$0x3] =	sbarrier.arrive $0xFFFF;
	s2 =	simm.s32 @!p0 $0x1C03  }
0x105: {  	[timem:s3], [sflag:s2] =	dma.local @!p0 [hbm:s0], s1  }
0x106: {  	s0 =	simm.s32 @!p0 $0x3  }
0x107: {  	_ =	swait.ge @!p0 [sflag:s0], s1  }
0x108: {  	s1 =	ssub.s32 @!p0 $0x0, s1;
	[sflag:s0] =	ssyncset.done @!p0 $0x0  }
0x109: {  	[sflag:s0] =	ssyncadd.s32 @!p0 s1  }
0x10a: {  	[bflag:$0x3] =	sbarrier.arrive $0xFFFF  }
0x10b: {  	_ =	shalt  }

</sc_bundles>
